<compile_context>
chip_gen: v7x
topology: tpu7x:2x2x1
jax: 0.10.2.dev20260603
libtpu: 0.0.44.dev20260713+nightly
codegen_flags: <defaults>
</compile_context>

<pallas_src>
import functools

import jax
import jax.numpy as jnp
from jax import lax
from jax.experimental import pallas as pl
from jax.experimental.pallas import tpu as pltpu
from jax.experimental.pallas import tpu_sc as plsc

N_ROWS = 320000
N_SEG = 10000
N_HID = 128

NC = 2
NS = 16
NW = NC * NS
ROWS_PER_W = N_ROWS // NW
CHUNK = 80
N_CHUNKS = ROWS_PER_W // CHUNK
NBUF = 4
FULL_ROUNDS = 30
SEG_PER_TILE = 640
N_STAGE = 8


def _sc_segment_sum(x, batch3):
    mesh = plsc.VectorSubcoreMesh(
        core_axis_name="c", subcore_axis_name="s",
        num_cores=NC, num_subcores=NS)

    @functools.partial(
        pl.kernel,
        out_type=jax.ShapeDtypeStruct((NC * N_SEG, N_HID), jnp.float32),
        mesh=mesh,
        compiler_params=pltpu.CompilerParams(use_tc_tiling_on_sc=False),
        scratch_types=dict(
            pooled=pltpu.VMEM_SHARED((N_SEG, N_HID), jnp.float32),
            idx_all=pltpu.VMEM((N_CHUNKS, CHUNK), jnp.int32),
            rows=pltpu.VMEM((NBUF, CHUNK, N_HID), jnp.float32),
            isem=pltpu.SemaphoreType.DMA,
            lsem=pltpu.SemaphoreType.DMA((NBUF,)),
            ssem=pltpu.SemaphoreType.DMA((NBUF,)),
        ),
    )
    def body(x_hbm, batch3_hbm, out_hbm, *, pooled, idx_all, rows,
             isem, lsem, ssem):
        c = lax.axis_index("c")
        s = lax.axis_index("s")
        wid = c * NS + s
        row0 = wid * ROWS_PER_W

        def load_desc(i, b):
            return pltpu.make_async_copy(
                x_hbm.at[pl.ds(row0 + i * CHUNK, CHUNK)], rows.at[b],
                lsem.at[b])

        def scat_desc(i, b):
            return pltpu.make_async_copy(
                rows.at[b], pooled.at[idx_all.at[i]], ssem.at[b])

        idx_desc = pltpu.make_async_copy(batch3_hbm.at[wid], idx_all, isem)
        idx_desc.start()
        for b in range(1, NBUF):
            load_desc(b, b).start()

        zvec = jnp.zeros((16,), jnp.float32)

        def zrow(i, _):
            for j in range(N_HID // 16):
                rows[0, i, pl.ds(j * 16, 16)] = zvec
            return 0

        lax.fori_loop(0, CHUNK, zrow, 0)
        nseg_t = jnp.where(s == NS - 1,
                           N_SEG - (NS - 1) * SEG_PER_TILE, SEG_PER_TILE)
        for k in range(N_STAGE):
            seg0 = s * SEG_PER_TILE + k * CHUNK

            @pl.when(k * CHUNK < nseg_t)
            def _():
                pltpu.sync_copy(rows.at[0], pooled.at[pl.ds(seg0, CHUNK)])

        load_desc(0, 0).start()
        idx_desc.wait()
        plsc.subcore_barrier()

        def full_round(g, _):
            for b in range(NBUF):
                i = g * NBUF + b
                load_desc(i, b).wait()
                scat_desc(i, b).start(add=True)
            for b in range(NBUF):
                i = g * NBUF + b
                scat_desc(i, b).wait()

                @pl.when(i + NBUF < N_CHUNKS)
                def _():
                    load_desc(i + NBUF, b).start()
            return 0

        lax.fori_loop(0, FULL_ROUNDS + 1, full_round, 0)

        for b in range(N_CHUNKS - (FULL_ROUNDS + 1) * NBUF):
            i = (FULL_ROUNDS + 1) * NBUF + b
            load_desc(i, b).wait()
            scat_desc(i, b).start(add=True)
            scat_desc(i, b).wait()
        plsc.subcore_barrier()

        def rd_desc(k, p):
            seg0 = s * SEG_PER_TILE + k * CHUNK
            return pltpu.make_async_copy(
                pooled.at[pl.ds(seg0, CHUNK)], rows.at[p], lsem.at[p])

        def wr_desc(k, p):
            seg0 = s * SEG_PER_TILE + k * CHUNK
            return pltpu.make_async_copy(
                rows.at[p], out_hbm.at[pl.ds(c * N_SEG + seg0, CHUNK)],
                ssem.at[p])

        def drain_pair(m, _):
            for p in range(2):
                k = 2 * m + p

                @pl.when(k * CHUNK < nseg_t)
                def _():
                    @pl.when(m >= 1)
                    def _():
                        wr_desc(k - 2, p).wait()
                    rd_desc(k, p).start()
                    rd_desc(k, p).wait()
                    wr_desc(k, p).start()
            return 0

        lax.fori_loop(0, N_STAGE // 2, drain_pair, 0)
        def drain_wait(m, _):
            for p in range(2):
                k = 2 * m + p
                cond = jnp.logical_and(k * CHUNK < nseg_t,
                                       (k + 2) * CHUNK >= nseg_t)

                @pl.when(cond)
                def _():
                    wr_desc(k, p).wait()
            return 0

        lax.fori_loop(0, N_STAGE // 2, drain_wait, 0)

    return body(x, batch3)


ROW_BLK = 5000


def _mm_body(p0_ref, p1_ref, w_ref, b_ref, o_ref):
    pooled = p0_ref[...] + p1_ref[...]
    o_ref[...] = lax.dot_general(
        pooled, w_ref[...], (((1,), (1,)), ((), ())),
        preferred_element_type=jnp.float32) + b_ref[...]


def _tc_linear(partials, W, b):
    grid = N_SEG // ROW_BLK
    return pl.pallas_call(
        _mm_body,
        grid=(grid,),
        in_specs=[
            pl.BlockSpec((ROW_BLK, N_HID), lambda i: (i, 0)),
            pl.BlockSpec((ROW_BLK, N_HID), lambda i, g=grid: (i + g, 0)),
            pl.BlockSpec((N_HID, N_HID), lambda i: (0, 0)),
            pl.BlockSpec((1, N_HID), lambda i: (0, 0)),
        ],
        out_specs=pl.BlockSpec((ROW_BLK, N_HID), lambda i: (i, 0)),
        out_shape=jax.ShapeDtypeStruct((N_SEG, N_HID), jnp.float32),
    )(partials, partials, W, b.reshape(1, N_HID))


def kernel(x, batch, W, b):
    batch3 = batch.astype(jnp.int32).reshape(NW, N_CHUNKS, CHUNK)
    partials = _sc_segment_sum(x, batch3)
    return _tc_linear(partials, W, b)

# --- scband reference (transcript-rebuilt; emitter-appended) ---
"""Pipeline reference for scband-decoder-1589137899998 (READ-ONLY COPY).

The authoritative reference and input builder live on the scoring server;
editing this copy changes nothing except your own understanding.
"""

import jax, jax.numpy as jnp
import numpy as np

N_ROWS = 320000
N_SEGMENTS = 10000
N_HIDDEN = 128

def setup_inputs(seed: int = 0) -> dict:
    key = jax.random.key(seed)
    k1, k2, k3, k4 = jax.random.split(key, 4)
    x = jax.random.normal(k1, (N_ROWS, N_HIDDEN), dtype=jnp.float32)
    batch = jnp.sort(jax.random.randint(k2, (N_ROWS,), 0, N_SEGMENTS))
    W = jax.random.normal(k3, (N_HIDDEN, N_HIDDEN), dtype=jnp.float32) * 0.02
    b = jax.random.normal(k4, (N_HIDDEN,), dtype=jnp.float32) * 0.02
    return {"x": x, "batch": batch, "W": W, "b": b}

def reference(x, batch, W, b):
    # scatter_sum(x, batch, dim=0) -> segment sum over row dimension
    pooled = jax.ops.segment_sum(x, batch, num_segments=N_SEGMENTS)
    # nn.Linear(n_hidden, n_hidden): y = pooled @ W.T + b
    out = pooled @ W.T + b
    return out

if __name__ == "__main__":
    import jax
    _d = setup_inputs()
    print(jax.jit(kernel)(*tuple(_d.values())))

</pallas_src>

<mosaic_0001>
#map = affine_map<(d0, d1) -> (0, 0)>
#map1 = affine_map<(d0, d1) -> (0, 0, 0)>
module attributes {stable_mosaic.version = 14 : i64} {
  func.func @body(%arg0: i32, %arg1: i32, %arg2: memref<320000x128xf32, #tpu.memory_space<hbm>>, %arg3: memref<32x125x80xi32, #tpu.memory_space<hbm>>, %arg4: memref<20000x128xf32, #tpu.memory_space<hbm>>, %arg5: memref<125x80xi32, #tpu.memory_space<vmem>>, %arg6: memref<!tpu.dma_semaphore, #tpu.memory_space<semaphore_mem>>, %arg7: memref<4x!tpu.dma_semaphore, #tpu.memory_space<semaphore_mem>>, %arg8: memref<10000x128xf32, #tpu.memory_space<vmem_shared>>, %arg9: memref<4x80x128xf32, #tpu.memory_space<vmem>>, %arg10: memref<4x!tpu.dma_semaphore, #tpu.memory_space<semaphore_mem>>) attributes {dimension_semantics = [#tpu.dimension_semantics<core_parallel>, #tpu.dimension_semantics<subcore_parallel>], iteration_bounds = array<i64: 2, 16>, scalar_prefetch = 0 : i64, scratch_operands = 6 : i64, tpu.core_type = #tpu.core_type<sc_vector_subcore>, window_params = [{transform_indices = #map}, {transform_indices = #map1}, {transform_indices = #map}]} {
    %mul3A = arith.constant 16 : i32
    %mul3A_0 = arith.muli %arg0, %mul3A : i32
    %add3A = arith.addi %mul3A_0, %arg1 : i32
    %mul3A_1 = arith.constant 10000 : i32
    %mul3A_2 = arith.muli %add3A, %mul3A_1 : i32
    %dma_start3A = arith.constant 0 : i32
    %dma_start3A_3 = arith.constant 0 : i32
    %dma_start3A_4 = tpu.memref_slice %arg3[%add3A, %dma_start3A, %dma_start3A_3] : memref<32x125x80xi32, #tpu.memory_space<hbm>> -> memref<1x125x80xi32, #tpu.memory_space<hbm>>
    %dma_start3A_5 = tpu.memref_squeeze %dma_start3A_4 : memref<1x125x80xi32, #tpu.memory_space<hbm>> -> memref<125x80xi32, #tpu.memory_space<hbm>>
    %dma_start3A_6 = arith.constant 0 : i32
    %dma_start3A_7 = arith.constant 0 : i32
    %dma_start3A_8 = tpu.memref_slice %arg3[%add3A, %dma_start3A_6, %dma_start3A_7] : memref<32x125x80xi32, #tpu.memory_space<hbm>> -> memref<1x125x80xi32, #tpu.memory_space<hbm>>
    %dma_start3A_9 = tpu.memref_squeeze %dma_start3A_8 : memref<1x125x80xi32, #tpu.memory_space<hbm>> -> memref<125x80xi32, #tpu.memory_space<hbm>>
    tpu.enqueue_dma source(%dma_start3A_9 : memref<125x80xi32, #tpu.memory_space<hbm>>) target(%arg5 : memref<125x80xi32, #tpu.memory_space<vmem>>) target_semaphore(%arg6 : memref<!tpu.dma_semaphore, #tpu.memory_space<semaphore_mem>>)
    %add3A_10 = arith.constant 80 : i32
    %add3A_11 = arith.addi %mul3A_2, %add3A_10 : i32
    %dma_start3A_12 = arith.constant 1 : i32
    %dma_start3A_13 = arith.constant 1 : i32
    %dma_start3A_14 = arith.constant 0 : i32
    %dma_start3A_15 = arith.constant 0 : i32
    %dma_start3A_16 = tpu.memref_slice %arg9[%dma_start3A_12, %dma_start3A_14, %dma_start3A_15] : memref<4x80x128xf32, #tpu.memory_space<vmem>> -> memref<1x80x128xf32, #tpu.memory_space<vmem>>
    %dma_start3A_17 = tpu.memref_squeeze %dma_start3A_16 : memref<1x80x128xf32, #tpu.memory_space<vmem>> -> memref<80x128xf32, #tpu.memory_space<vmem>>
    %dma_start3A_18 = arith.constant 0 : i32
    %dma_start3A_19 = tpu.memref_slice %arg2[%add3A_11, %dma_start3A_18] : memref<320000x128xf32, #tpu.memory_space<hbm>> -> memref<80x128xf32, #tpu.memory_space<hbm>>
    %dma_start3A_20 = tpu.memref_slice %arg7[%dma_start3A_13] : memref<4x!tpu.dma_semaphore, #tpu.memory_space<semaphore_mem>> -> memref<1x!tpu.dma_semaphore, #tpu.memory_space<semaphore_mem>>
    %dma_start3A_21 = tpu.memref_squeeze %dma_start3A_20 : memref<1x!tpu.dma_semaphore, #tpu.memory_space<semaphore_mem>> -> memref<!tpu.dma_semaphore, #tpu.memory_space<semaphore_mem>>
    %dma_start3A_22 = arith.constant 0 : i32
    %dma_start3A_23 = arith.constant 0 : i32
    %dma_start3A_24 = tpu.memref_slice %arg9[%dma_start3A_12, %dma_start3A_22, %dma_start3A_23] : memref<4x80x128xf32, #tpu.memory_space<vmem>> -> memref<1x80x128xf32, #tpu.memory_space<vmem>>
    %dma_start3A_25 = tpu.memref_squeeze %dma_start3A_24 : memref<1x80x128xf32, #tpu.memory_space<vmem>> -> memref<80x128xf32, #tpu.memory_space<vmem>>
    %dma_start3A_26 = arith.constant 0 : i32
    %dma_start3A_27 = tpu.memref_slice %arg2[%add3A_11, %dma_start3A_26] : memref<320000x128xf32, #tpu.memory_space<hbm>> -> memref<80x128xf32, #tpu.memory_space<hbm>>
    tpu.enqueue_dma source(%dma_start3A_27 : memref<80x128xf32, #tpu.memory_space<hbm>>) target(%dma_start3A_25 : memref<80x128xf32, #tpu.memory_space<vmem>>) target_semaphore(%dma_start3A_21 : memref<!tpu.dma_semaphore, #tpu.memory_space<semaphore_mem>>)
    %add3A_28 = arith.constant 160 : i32
    %add3A_29 = arith.addi %mul3A_2, %add3A_28 : i32
    %dma_start3A_30 = arith.constant 2 : i32
    %dma_start3A_31 = arith.constant 2 : i32
    %dma_start3A_32 = arith.constant 0 : i32
    %dma_start3A_33 = arith.constant 0 : i32
    %dma_start3A_34 = tpu.memref_slice %arg9[%dma_start3A_30, %dma_start3A_32, %dma_start3A_33] : memref<4x80x128xf32, #tpu.memory_space<vmem>> -> memref<1x80x128xf32, #tpu.memory_space<vmem>>
    %dma_start3A_35 = tpu.memref_squeeze %dma_start3A_34 : memref<1x80x128xf32, #tpu.memory_space<vmem>> -> memref<80x128xf32, #tpu.memory_space<vmem>>
    %dma_start3A_36 = arith.constant 0 : i32
    %dma_start3A_37 = tpu.memref_slice %arg2[%add3A_29, %dma_start3A_36] : memref<320000x128xf32, #tpu.memory_space<hbm>> -> memref<80x128xf32, #tpu.memory_space<hbm>>
    %dma_start3A_38 = tpu.memref_slice %arg7[%dma_start3A_31] : memref<4x!tpu.dma_semaphore, #tpu.memory_space<semaphore_mem>> -> memref<1x!tpu.dma_semaphore, #tpu.memory_space<semaphore_mem>>
    %dma_start3A_39 = tpu.memref_squeeze %dma_start3A_38 : memref<1x!tpu.dma_semaphore, #tpu.memory_space<semaphore_mem>> -> memref<!tpu.dma_semaphore, #tpu.memory_space<semaphore_mem>>
    %dma_start3A_40 = arith.constant 0 : i32
    %dma_start3A_41 = arith.constant 0 : i32
    %dma_start3A_42 = tpu.memref_slice %arg9[%dma_start3A_30, %dma_start3A_40, %dma_start3A_41] : memref<4x80x128xf32, #tpu.memory_space<vmem>> -> memref<1x80x128xf32, #tpu.memory_space<vmem>>
    %dma_start3A_43 = tpu.memref_squeeze %dma_start3A_42 : memref<1x80x128xf32, #tpu.memory_space<vmem>> -> memref<80x128xf32, #tpu.memory_space<vmem>>
    %dma_start3A_44 = arith.constant 0 : i32
    %dma_start3A_45 = tpu.memref_slice %arg2[%add3A_29, %dma_start3A_44] : memref<320000x128xf32, #tpu.memory_space<hbm>> -> memref<80x128xf32, #tpu.memory_space<hbm>>
    tpu.enqueue_dma source(%dma_start3A_45 : memref<80x128xf32, #tpu.memory_space<hbm>>) target(%dma_start3A_43 : memref<80x128xf32, #tpu.memory_space<vmem>>) target_semaphore(%dma_start3A_39 : memref<!tpu.dma_semaphore, #tpu.memory_space<semaphore_mem>>)
    %add3A_46 = arith.constant 240 : i32
    %add3A_47 = arith.addi %mul3A_2, %add3A_46 : i32
    %dma_start3A_48 = arith.constant 3 : i32
    %dma_start3A_49 = arith.constant 3 : i32
    %dma_start3A_50 = arith.constant 0 : i32
    %dma_start3A_51 = arith.constant 0 : i32
    %dma_start3A_52 = tpu.memref_slice %arg9[%dma_start3A_48, %dma_start3A_50, %dma_start3A_51] : memref<4x80x128xf32, #tpu.memory_space<vmem>> -> memref<1x80x128xf32, #tpu.memory_space<vmem>>
    %dma_start3A_53 = tpu.memref_squeeze %dma_start3A_52 : memref<1x80x128xf32, #tpu.memory_space<vmem>> -> memref<80x128xf32, #tpu.memory_space<vmem>>
    %dma_start3A_54 = arith.constant 0 : i32
    %dma_start3A_55 = tpu.memref_slice %arg2[%add3A_47, %dma_start3A_54] : memref<320000x128xf32, #tpu.memory_space<hbm>> -> memref<80x128xf32, #tpu.memory_space<hbm>>
    %dma_start3A_56 = tpu.memref_slice %arg7[%dma_start3A_49] : memref<4x!tpu.dma_semaphore, #tpu.memory_space<semaphore_mem>> -> memref<1x!tpu.dma_semaphore, #tpu.memory_space<semaphore_mem>>
    %dma_start3A_57 = tpu.memref_squeeze %dma_start3A_56 : memref<1x!tpu.dma_semaphore, #tpu.memory_space<semaphore_mem>> -> memref<!tpu.dma_semaphore, #tpu.memory_space<semaphore_mem>>
    %dma_start3A_58 = arith.constant 0 : i32
    %dma_start3A_59 = arith.constant 0 : i32
    %dma_start3A_60 = tpu.memref_slice %arg9[%dma_start3A_48, %dma_start3A_58, %dma_start3A_59] : memref<4x80x128xf32, #tpu.memory_space<vmem>> -> memref<1x80x128xf32, #tpu.memory_space<vmem>>
    %dma_start3A_61 = tpu.memref_squeeze %dma_start3A_60 : memref<1x80x128xf32, #tpu.memory_space<vmem>> -> memref<80x128xf32, #tpu.memory_space<vmem>>
    %dma_start3A_62 = arith.constant 0 : i32
    %dma_start3A_63 = tpu.memref_slice %arg2[%add3A_47, %dma_start3A_62] : memref<320000x128xf32, #tpu.memory_space<hbm>> -> memref<80x128xf32, #tpu.memory_space<hbm>>
    tpu.enqueue_dma source(%dma_start3A_63 : memref<80x128xf32, #tpu.memory_space<hbm>>) target(%dma_start3A_61 : memref<80x128xf32, #tpu.memory_space<vmem>>) target_semaphore(%dma_start3A_57 : memref<!tpu.dma_semaphore, #tpu.memory_space<semaphore_mem>>)
    %broadcast_in_dim3A = arith.constant 0.000000e+00 : f32
    %broadcast_in_dim3A_64 = vector.broadcast %broadcast_in_dim3A : f32 to vector<16xf32>
    %scan3A = arith.constant 0 : i32
    %scan3A_65 = arith.constant 0 : i32
    %scan3A_66 = arith.constant 80 : i32
    %scan3A_67 = arith.addi %scan3A_65, %scan3A_66 : i32
    %scan3A_68 = arith.constant 1 : i32
    %scan3A_69 = scf.for %scan3A_237 = %scan3A_65 to %scan3A_67 step %scan3A_68 iter_args(%scan3A_238 = %scan3A) -> (i32)  : i32 {
      %swap3A = arith.constant 0 : i32
      %swap3A_239 = arith.index_cast %swap3A : i32 to index
      %swap3A_240 = arith.index_cast %scan3A_237 : i32 to index
      %swap3A_241 = arith.constant 0 : index
      %swap3A_242 = tpu.vector_load %arg9[%swap3A_239, %swap3A_240, %swap3A_241] {strides = array<i32>} : memref<4x80x128xf32, #tpu.memory_space<vmem>>, vector<1x1x16xf32>,
      %swap3A_243 = vector.shape_cast %swap3A_242 : vector<1x1x16xf32> to vector<16xf32>
      %swap3A_244 = vector.shape_cast %broadcast_in_dim3A_64 : vector<16xf32> to vector<1x1x16xf32>
      tpu.vector_store %arg9[%swap3A_239, %swap3A_240, %swap3A_241], %swap3A_244 {strides = array<i32>} : memref<4x80x128xf32, #tpu.memory_space<vmem>>, vector<1x1x16xf32>,
      %swap3A_245 = arith.constant 0 : i32
      %swap3A_246 = arith.index_cast %swap3A_245 : i32 to index
      %swap3A_247 = arith.index_cast %scan3A_237 : i32 to index
      %swap3A_248 = arith.constant 16 : index
      %swap3A_249 = tpu.vector_load %arg9[%swap3A_246, %swap3A_247, %swap3A_248] {strides = array<i32>} : memref<4x80x128xf32, #tpu.memory_space<vmem>>, vector<1x1x16xf32>,
      %swap3A_250 = vector.shape_cast %swap3A_249 : vector<1x1x16xf32> to vector<16xf32>
      %swap3A_251 = vector.shape_cast %broadcast_in_dim3A_64 : vector<16xf32> to vector<1x1x16xf32>
      tpu.vector_store %arg9[%swap3A_246, %swap3A_247, %swap3A_248], %swap3A_251 {strides = array<i32>} : memref<4x80x128xf32, #tpu.memory_space<vmem>>, vector<1x1x16xf32>,
      %swap3A_252 = arith.constant 0 : i32
      %swap3A_253 = arith.index_cast %swap3A_252 : i32 to index
      %swap3A_254 = arith.index_cast %scan3A_237 : i32 to index
      %swap3A_255 = arith.constant 32 : index
      %swap3A_256 = tpu.vector_load %arg9[%swap3A_253, %swap3A_254, %swap3A_255] {strides = array<i32>} : memref<4x80x128xf32, #tpu.memory_space<vmem>>, vector<1x1x16xf32>,
      %swap3A_257 = vector.shape_cast %swap3A_256 : vector<1x1x16xf32> to vector<16xf32>
      %swap3A_258 = vector.shape_cast %broadcast_in_dim3A_64 : vector<16xf32> to vector<1x1x16xf32>
      tpu.vector_store %arg9[%swap3A_253, %swap3A_254, %swap3A_255], %swap3A_258 {strides = array<i32>} : memref<4x80x128xf32, #tpu.memory_space<vmem>>, vector<1x1x16xf32>,
      %swap3A_259 = arith.constant 0 : i32
      %swap3A_260 = arith.index_cast %swap3A_259 : i32 to index
      %swap3A_261 = arith.index_cast %scan3A_237 : i32 to index
      %swap3A_262 = arith.constant 48 : index
      %swap3A_263 = tpu.vector_load %arg9[%swap3A_260, %swap3A_261, %swap3A_262] {strides = array<i32>} : memref<4x80x128xf32, #tpu.memory_space<vmem>>, vector<1x1x16xf32>,
      %swap3A_264 = vector.shape_cast %swap3A_263 : vector<1x1x16xf32> to vector<16xf32>
      %swap3A_265 = vector.shape_cast %broadcast_in_dim3A_64 : vector<16xf32> to vector<1x1x16xf32>
      tpu.vector_store %arg9[%swap3A_260, %swap3A_261, %swap3A_262], %swap3A_265 {strides = array<i32>} : memref<4x80x128xf32, #tpu.memory_space<vmem>>, vector<1x1x16xf32>,
      %swap3A_266 = arith.constant 0 : i32
      %swap3A_267 = arith.index_cast %swap3A_266 : i32 to index
      %swap3A_268 = arith.index_cast %scan3A_237 : i32 to index
      %swap3A_269 = arith.constant 64 : index
      %swap3A_270 = tpu.vector_load %arg9[%swap3A_267, %swap3A_268, %swap3A_269] {strides = array<i32>} : memref<4x80x128xf32, #tpu.memory_space<vmem>>, vector<1x1x16xf32>,
      %swap3A_271 = vector.shape_cast %swap3A_270 : vector<1x1x16xf32> to vector<16xf32>
      %swap3A_272 = vector.shape_cast %broadcast_in_dim3A_64 : vector<16xf32> to vector<1x1x16xf32>
      tpu.vector_store %arg9[%swap3A_267, %swap3A_268, %swap3A_269], %swap3A_272 {strides = array<i32>} : memref<4x80x128xf32, #tpu.memory_space<vmem>>, vector<1x1x16xf32>,
      %swap3A_273 = arith.constant 0 : i32
      %swap3A_274 = arith.index_cast %swap3A_273 : i32 to index
      %swap3A_275 = arith.index_cast %scan3A_237 : i32 to index
      %swap3A_276 = arith.constant 80 : index
      %swap3A_277 = tpu.vector_load %arg9[%swap3A_274, %swap3A_275, %swap3A_276] {strides = array<i32>} : memref<4x80x128xf32, #tpu.memory_space<vmem>>, vector<1x1x16xf32>,
      %swap3A_278 = vector.shape_cast %swap3A_277 : vector<1x1x16xf32> to vector<16xf32>
      %swap3A_279 = vector.shape_cast %broadcast_in_dim3A_64 : vector<16xf32> to vector<1x1x16xf32>
      tpu.vector_store %arg9[%swap3A_274, %swap3A_275, %swap3A_276], %swap3A_279 {strides = array<i32>} : memref<4x80x128xf32, #tpu.memory_space<vmem>>, vector<1x1x16xf32>,
      %swap3A_280 = arith.constant 0 : i32
      %swap3A_281 = arith.index_cast %swap3A_280 : i32 to index
      %swap3A_282 = arith.index_cast %scan3A_237 : i32 to index
      %swap3A_283 = arith.constant 96 : index
      %swap3A_284 = tpu.vector_load %arg9[%swap3A_281, %swap3A_282, %swap3A_283] {strides = array<i32>} : memref<4x80x128xf32, #tpu.memory_space<vmem>>, vector<1x1x16xf32>,
      %swap3A_285 = vector.shape_cast %swap3A_284 : vector<1x1x16xf32> to vector<16xf32>
      %swap3A_286 = vector.shape_cast %broadcast_in_dim3A_64 : vector<16xf32> to vector<1x1x16xf32>
      tpu.vector_store %arg9[%swap3A_281, %swap3A_282, %swap3A_283], %swap3A_286 {strides = array<i32>} : memref<4x80x128xf32, #tpu.memory_space<vmem>>, vector<1x1x16xf32>,
      %swap3A_287 = arith.constant 0 : i32
      %swap3A_288 = arith.index_cast %swap3A_287 : i32 to index
      %swap3A_289 = arith.index_cast %scan3A_237 : i32 to index
      %swap3A_290 = arith.constant 112 : index
      %swap3A_291 = tpu.vector_load %arg9[%swap3A_288, %swap3A_289, %swap3A_290] {strides = array<i32>} : memref<4x80x128xf32, #tpu.memory_space<vmem>>, vector<1x1x16xf32>,
      %swap3A_292 = vector.shape_cast %swap3A_291 : vector<1x1x16xf32> to vector<16xf32>
      %swap3A_293 = vector.shape_cast %broadcast_in_dim3A_64 : vector<16xf32> to vector<1x1x16xf32>
      tpu.vector_store %arg9[%swap3A_288, %swap3A_289, %swap3A_290], %swap3A_293 {strides = array<i32>} : memref<4x80x128xf32, #tpu.memory_space<vmem>>, vector<1x1x16xf32>,
      %scan3A_294 = arith.constant 0 : i32
      scf.yield %scan3A_294 : i32
    }
    %scan3A_70 = arith.constant 80 : i32
    %eq3A = arith.constant 15 : i32
    %eq3A_71 = arith.cmpi eq, %arg1, %eq3A : i32
    %jit3A = arith.constant 400 : i32
    %jit3A_72 = arith.constant 640 : i32
    %select_n3A = arith.select %eq3A_71, %jit3A, %jit3A_72 : i32
    %mul3A_73 = arith.constant 640 : i32
    %mul3A_74 = arith.muli %arg1, %mul3A_73 : i32
    %add3A_75 = arith.constant 0 : i32
    %add3A_76 = arith.addi %mul3A_74, %add3A_75 : i32
    %gt3A = arith.constant 0 : i32
    %gt3A_77 = arith.cmpi sgt, %select_n3A, %gt3A : i32
    %convert_element_type3A = arith.extui %gt3A_77 : i1 to i32
    %cond3A = arith.constant 0 : i32
    %cond3A_78 = arith.cmpi ne, %convert_element_type3A, %cond3A : i32
    scf.if %cond3A_78 {
      %run_scoped3A = arith.constant 0 : i32
      "tpu.region"() ({
        %run_scoped3A_237 = tpu.sem_alloc : memref<!tpu.dma_semaphore, #tpu.memory_space<semaphore_mem>>
        %dma_start3A_238 = arith.constant 0 : i32
        %dma_start3A_239 = arith.constant 0 : i32
        %dma_start3A_240 = tpu.memref_slice %arg9[%run_scoped3A, %dma_start3A_238, %dma_start3A_239] : memref<4x80x128xf32, #tpu.memory_space<vmem>> -> memref<1x80x128xf32, #tpu.memory_space<vmem>>
        %dma_start3A_241 = tpu.memref_squeeze %dma_start3A_240 : memref<1x80x128xf32, #tpu.memory_space<vmem>> -> memref<80x128xf32, #tpu.memory_space<vmem>>
        %dma_start3A_242 = arith.constant 0 : i32
        %dma_start3A_243 = tpu.memref_slice %arg8[%add3A_76, %dma_start3A_242] : memref<10000x128xf32, #tpu.memory_space<vmem_shared>> -> memref<80x128xf32, #tpu.memory_space<vmem_shared>>
        %dma_start3A_244 = arith.constant 0 : i32
        %dma_start3A_245 = tpu.memref_slice %arg8[%add3A_76, %dma_start3A_244] : memref<10000x128xf32, #tpu.memory_space<vmem_shared>> -> memref<80x128xf32, #tpu.memory_space<vmem_shared>>
        %dma_start3A_246 = arith.constant 0 : i32
        %dma_start3A_247 = arith.constant 0 : i32
        %dma_start3A_248 = tpu.memref_slice %arg9[%run_scoped3A, %dma_start3A_246, %dma_start3A_247] : memref<4x80x128xf32, #tpu.memory_space<vmem>> -> memref<1x80x128xf32, #tpu.memory_space<vmem>>
        %dma_start3A_249 = tpu.memref_squeeze %dma_start3A_248 : memref<1x80x128xf32, #tpu.memory_space<vmem>> -> memref<80x128xf32, #tpu.memory_space<vmem>>
        tpu.enqueue_dma source(%dma_start3A_249 : memref<80x128xf32, #tpu.memory_space<vmem>>) target(%dma_start3A_245 : memref<80x128xf32, #tpu.memory_space<vmem_shared>>) target_semaphore(%run_scoped3A_237 : memref<!tpu.dma_semaphore, #tpu.memory_space<semaphore_mem>>)
        %dma_wait3A_250 = arith.constant 0 : i32
        %dma_wait3A_251 = arith.constant 0 : i32
        %dma_wait3A_252 = tpu.memref_slice %arg9[%run_scoped3A, %dma_wait3A_250, %dma_wait3A_251] : memref<4x80x128xf32, #tpu.memory_space<vmem>> -> memref<1x80x128xf32, #tpu.memory_space<vmem>>
        %dma_wait3A_253 = tpu.memref_squeeze %dma_wait3A_252 : memref<1x80x128xf32, #tpu.memory_space<vmem>> -> memref<80x128xf32, #tpu.memory_space<vmem>>
        %dma_wait3A_254 = arith.constant 0 : i32
        %dma_wait3A_255 = tpu.memref_slice %arg8[%add3A_76, %dma_wait3A_254] : memref<10000x128xf32, #tpu.memory_space<vmem_shared>> -> memref<80x128xf32, #tpu.memory_space<vmem_shared>>
        %dma_wait3A_256 = arith.constant 0 : i32
        %dma_wait3A_257 = tpu.memref_slice %arg8[%add3A_76, %dma_wait3A_256] : memref<10000x128xf32, #tpu.memory_space<vmem_shared>> -> memref<80x128xf32, #tpu.memory_space<vmem_shared>>
        %dma_wait3A_258 = arith.constant 0 : i32
        %dma_wait3A_259 = arith.constant 0 : i32
        %dma_wait3A_260 = tpu.memref_slice %arg9[%run_scoped3A, %dma_wait3A_258, %dma_wait3A_259] : memref<4x80x128xf32, #tpu.memory_space<vmem>> -> memref<1x80x128xf32, #tpu.memory_space<vmem>>
        %dma_wait3A_261 = tpu.memref_squeeze %dma_wait3A_260 : memref<1x80x128xf32, #tpu.memory_space<vmem>> -> memref<80x128xf32, #tpu.memory_space<vmem>>
        tpu.wait_dma2 semaphore(%run_scoped3A_237 : memref<!tpu.dma_semaphore, #tpu.memory_space<semaphore_mem>>) src(%dma_wait3A_261 : memref<80x128xf32, #tpu.memory_space<vmem>>) dst(%dma_wait3A_257 : memref<80x128xf32, #tpu.memory_space<vmem_shared>>)
        tpu.yield
      }) : () -> ()
    } else {
    }
    %mul3A_79 = arith.constant 640 : i32
    %mul3A_80 = arith.muli %arg1, %mul3A_79 : i32
    %add3A_81 = arith.constant 80 : i32
    %add3A_82 = arith.addi %mul3A_80, %add3A_81 : i32
    %gt3A_83 = arith.constant 80 : i32
    %gt3A_84 = arith.cmpi sgt, %select_n3A, %gt3A_83 : i32
    %convert_element_type3A_85 = arith.extui %gt3A_84 : i1 to i32
    %cond3A_86 = arith.constant 0 : i32
    %cond3A_87 = arith.cmpi ne, %convert_element_type3A_85, %cond3A_86 : i32
    scf.if %cond3A_87 {
      %run_scoped3A = arith.constant 0 : i32
      "tpu.region"() ({
        %run_scoped3A_237 = tpu.sem_alloc : memref<!tpu.dma_semaphore, #tpu.memory_space<semaphore_mem>>
        %dma_start3A_238 = arith.constant 0 : i32
        %dma_start3A_239 = arith.constant 0 : i32
        %dma_start3A_240 = tpu.memref_slice %arg9[%run_scoped3A, %dma_start3A_238, %dma_start3A_239] : memref<4x80x128xf32, #tpu.memory_space<vmem>> -> memref<1x80x128xf32, #tpu.memory_space<vmem>>
        %dma_start3A_241 = tpu.memref_squeeze %dma_start3A_240 : memref<1x80x128xf32, #tpu.memory_space<vmem>> -> memref<80x128xf32, #tpu.memory_space<vmem>>
        %dma_start3A_242 = arith.constant 0 : i32
        %dma_start3A_243 = tpu.memref_slice %arg8[%add3A_82, %dma_start3A_242] : memref<10000x128xf32, #tpu.memory_space<vmem_shared>> -> memref<80x128xf32, #tpu.memory_space<vmem_shared>>
        %dma_start3A_244 = arith.constant 0 : i32
        %dma_start3A_245 = tpu.memref_slice %arg8[%add3A_82, %dma_start3A_244] : memref<10000x128xf32, #tpu.memory_space<vmem_shared>> -> memref<80x128xf32, #tpu.memory_space<vmem_shared>>
        %dma_start3A_246 = arith.constant 0 : i32
        %dma_start3A_247 = arith.constant 0 : i32
        %dma_start3A_248 = tpu.memref_slice %arg9[%run_scoped3A, %dma_start3A_246, %dma_start3A_247] : memref<4x80x128xf32, #tpu.memory_space<vmem>> -> memref<1x80x128xf32, #tpu.memory_space<vmem>>
        %dma_start3A_249 = tpu.memref_squeeze %dma_start3A_248 : memref<1x80x128xf32, #tpu.memory_space<vmem>> -> memref<80x128xf32, #tpu.memory_space<vmem>>
        tpu.enqueue_dma source(%dma_start3A_249 : memref<80x128xf32, #tpu.memory_space<vmem>>) target(%dma_start3A_245 : memref<80x128xf32, #tpu.memory_space<vmem_shared>>) target_semaphore(%run_scoped3A_237 : memref<!tpu.dma_semaphore, #tpu.memory_space<semaphore_mem>>)
        %dma_wait3A_250 = arith.constant 0 : i32
        %dma_wait3A_251 = arith.constant 0 : i32
        %dma_wait3A_252 = tpu.memref_slice %arg9[%run_scoped3A, %dma_wait3A_250, %dma_wait3A_251] : memref<4x80x128xf32, #tpu.memory_space<vmem>> -> memref<1x80x128xf32, #tpu.memory_space<vmem>>
        %dma_wait3A_253 = tpu.memref_squeeze %dma_wait3A_252 : memref<1x80x128xf32, #tpu.memory_space<vmem>> -> memref<80x128xf32, #tpu.memory_space<vmem>>
        %dma_wait3A_254 = arith.constant 0 : i32
        %dma_wait3A_255 = tpu.memref_slice %arg8[%add3A_82, %dma_wait3A_254] : memref<10000x128xf32, #tpu.memory_space<vmem_shared>> -> memref<80x128xf32, #tpu.memory_space<vmem_shared>>
        %dma_wait3A_256 = arith.constant 0 : i32
        %dma_wait3A_257 = tpu.memref_slice %arg8[%add3A_82, %dma_wait3A_256] : memref<10000x128xf32, #tpu.memory_space<vmem_shared>> -> memref<80x128xf32, #tpu.memory_space<vmem_shared>>
        %dma_wait3A_258 = arith.constant 0 : i32
        %dma_wait3A_259 = arith.constant 0 : i32
        %dma_wait3A_260 = tpu.memref_slice %arg9[%run_scoped3A, %dma_wait3A_258, %dma_wait3A_259] : memref<4x80x128xf32, #tpu.memory_space<vmem>> -> memref<1x80x128xf32, #tpu.memory_space<vmem>>
        %dma_wait3A_261 = tpu.memref_squeeze %dma_wait3A_260 : memref<1x80x128xf32, #tpu.memory_space<vmem>> -> memref<80x128xf32, #tpu.memory_space<vmem>>
        tpu.wait_dma2 semaphore(%run_scoped3A_237 : memref<!tpu.dma_semaphore, #tpu.memory_space<semaphore_mem>>) src(%dma_wait3A_261 : memref<80x128xf32, #tpu.memory_space<vmem>>) dst(%dma_wait3A_257 : memref<80x128xf32, #tpu.memory_space<vmem_shared>>)
        tpu.yield
      }) : () -> ()
    } else {
    }
    %mul3A_88 = arith.constant 640 : i32
    %mul3A_89 = arith.muli %arg1, %mul3A_88 : i32
    %add3A_90 = arith.constant 160 : i32
    %add3A_91 = arith.addi %mul3A_89, %add3A_90 : i32
    %gt3A_92 = arith.constant 160 : i32
    %gt3A_93 = arith.cmpi sgt, %select_n3A, %gt3A_92 : i32
    %convert_element_type3A_94 = arith.extui %gt3A_93 : i1 to i32
    %cond3A_95 = arith.constant 0 : i32
    %cond3A_96 = arith.cmpi ne, %convert_element_type3A_94, %cond3A_95 : i32
    scf.if %cond3A_96 {
      %run_scoped3A = arith.constant 0 : i32
      "tpu.region"() ({
        %run_scoped3A_237 = tpu.sem_alloc : memref<!tpu.dma_semaphore, #tpu.memory_space<semaphore_mem>>
        %dma_start3A_238 = arith.constant 0 : i32
        %dma_start3A_239 = arith.constant 0 : i32
        %dma_start3A_240 = tpu.memref_slice %arg9[%run_scoped3A, %dma_start3A_238, %dma_start3A_239] : memref<4x80x128xf32, #tpu.memory_space<vmem>> -> memref<1x80x128xf32, #tpu.memory_space<vmem>>
        %dma_start3A_241 = tpu.memref_squeeze %dma_start3A_240 : memref<1x80x128xf32, #tpu.memory_space<vmem>> -> memref<80x128xf32, #tpu.memory_space<vmem>>
        %dma_start3A_242 = arith.constant 0 : i32
        %dma_start3A_243 = tpu.memref_slice %arg8[%add3A_91, %dma_start3A_242] : memref<10000x128xf32, #tpu.memory_space<vmem_shared>> -> memref<80x128xf32, #tpu.memory_space<vmem_shared>>
        %dma_start3A_244 = arith.constant 0 : i32
        %dma_start3A_245 = tpu.memref_slice %arg8[%add3A_91, %dma_start3A_244] : memref<10000x128xf32, #tpu.memory_space<vmem_shared>> -> memref<80x128xf32, #tpu.memory_space<vmem_shared>>
        %dma_start3A_246 = arith.constant 0 : i32
        %dma_start3A_247 = arith.constant 0 : i32
        %dma_start3A_248 = tpu.memref_slice %arg9[%run_scoped3A, %dma_start3A_246, %dma_start3A_247] : memref<4x80x128xf32, #tpu.memory_space<vmem>> -> memref<1x80x128xf32, #tpu.memory_space<vmem>>
        %dma_start3A_249 = tpu.memref_squeeze %dma_start3A_248 : memref<1x80x128xf32, #tpu.memory_space<vmem>> -> memref<80x128xf32, #tpu.memory_space<vmem>>
        tpu.enqueue_dma source(%dma_start3A_249 : memref<80x128xf32, #tpu.memory_space<vmem>>) target(%dma_start3A_245 : memref<80x128xf32, #tpu.memory_space<vmem_shared>>) target_semaphore(%run_scoped3A_237 : memref<!tpu.dma_semaphore, #tpu.memory_space<semaphore_mem>>)
        %dma_wait3A_250 = arith.constant 0 : i32
        %dma_wait3A_251 = arith.constant 0 : i32
        %dma_wait3A_252 = tpu.memref_slice %arg9[%run_scoped3A, %dma_wait3A_250, %dma_wait3A_251] : memref<4x80x128xf32, #tpu.memory_space<vmem>> -> memref<1x80x128xf32, #tpu.memory_space<vmem>>
        %dma_wait3A_253 = tpu.memref_squeeze %dma_wait3A_252 : memref<1x80x128xf32, #tpu.memory_space<vmem>> -> memref<80x128xf32, #tpu.memory_space<vmem>>
        %dma_wait3A_254 = arith.constant 0 : i32
        %dma_wait3A_255 = tpu.memref_slice %arg8[%add3A_91, %dma_wait3A_254] : memref<10000x128xf32, #tpu.memory_space<vmem_shared>> -> memref<80x128xf32, #tpu.memory_space<vmem_shared>>
        %dma_wait3A_256 = arith.constant 0 : i32
        %dma_wait3A_257 = tpu.memref_slice %arg8[%add3A_91, %dma_wait3A_256] : memref<10000x128xf32, #tpu.memory_space<vmem_shared>> -> memref<80x128xf32, #tpu.memory_space<vmem_shared>>
        %dma_wait3A_258 = arith.constant 0 : i32
        %dma_wait3A_259 = arith.constant 0 : i32
        %dma_wait3A_260 = tpu.memref_slice %arg9[%run_scoped3A, %dma_wait3A_258, %dma_wait3A_259] : memref<4x80x128xf32, #tpu.memory_space<vmem>> -> memref<1x80x128xf32, #tpu.memory_space<vmem>>
        %dma_wait3A_261 = tpu.memref_squeeze %dma_wait3A_260 : memref<1x80x128xf32, #tpu.memory_space<vmem>> -> memref<80x128xf32, #tpu.memory_space<vmem>>
        tpu.wait_dma2 semaphore(%run_scoped3A_237 : memref<!tpu.dma_semaphore, #tpu.memory_space<semaphore_mem>>) src(%dma_wait3A_261 : memref<80x128xf32, #tpu.memory_space<vmem>>) dst(%dma_wait3A_257 : memref<80x128xf32, #tpu.memory_space<vmem_shared>>)
        tpu.yield
      }) : () -> ()
    } else {
    }
    %mul3A_97 = arith.constant 640 : i32
    %mul3A_98 = arith.muli %arg1, %mul3A_97 : i32
    %add3A_99 = arith.constant 240 : i32
    %add3A_100 = arith.addi %mul3A_98, %add3A_99 : i32
    %gt3A_101 = arith.constant 240 : i32
    %gt3A_102 = arith.cmpi sgt, %select_n3A, %gt3A_101 : i32
    %convert_element_type3A_103 = arith.extui %gt3A_102 : i1 to i32
    %cond3A_104 = arith.constant 0 : i32
    %cond3A_105 = arith.cmpi ne, %convert_element_type3A_103, %cond3A_104 : i32
    scf.if %cond3A_105 {
      %run_scoped3A = arith.constant 0 : i32
      "tpu.region"() ({
        %run_scoped3A_237 = tpu.sem_alloc : memref<!tpu.dma_semaphore, #tpu.memory_space<semaphore_mem>>
        %dma_start3A_238 = arith.constant 0 : i32
        %dma_start3A_239 = arith.constant 0 : i32
        %dma_start3A_240 = tpu.memref_slice %arg9[%run_scoped3A, %dma_start3A_238, %dma_start3A_239] : memref<4x80x128xf32, #tpu.memory_space<vmem>> -> memref<1x80x128xf32, #tpu.memory_space<vmem>>
        %dma_start3A_241 = tpu.memref_squeeze %dma_start3A_240 : memref<1x80x128xf32, #tpu.memory_space<vmem>> -> memref<80x128xf32, #tpu.memory_space<vmem>>
        %dma_start3A_242 = arith.constant 0 : i32
        %dma_start3A_243 = tpu.memref_slice %arg8[%add3A_100, %dma_start3A_242] : memref<10000x128xf32, #tpu.memory_space<vmem_shared>> -> memref<80x128xf32, #tpu.memory_space<vmem_shared>>
        %dma_start3A_244 = arith.constant 0 : i32
        %dma_start3A_245 = tpu.memref_slice %arg8[%add3A_100, %dma_start3A_244] : memref<10000x128xf32, #tpu.memory_space<vmem_shared>> -> memref<80x128xf32, #tpu.memory_space<vmem_shared>>
        %dma_start3A_246 = arith.constant 0 : i32
        %dma_start3A_247 = arith.constant 0 : i32
        %dma_start3A_248 = tpu.memref_slice %arg9[%run_scoped3A, %dma_start3A_246, %dma_start3A_247] : memref<4x80x128xf32, #tpu.memory_space<vmem>> -> memref<1x80x128xf32, #tpu.memory_space<vmem>>
        %dma_start3A_249 = tpu.memref_squeeze %dma_start3A_248 : memref<1x80x128xf32, #tpu.memory_space<vmem>> -> memref<80x128xf32, #tpu.memory_space<vmem>>
        tpu.enqueue_dma source(%dma_start3A_249 : memref<80x128xf32, #tpu.memory_space<vmem>>) target(%dma_start3A_245 : memref<80x128xf32, #tpu.memory_space<vmem_shared>>) target_semaphore(%run_scoped3A_237 : memref<!tpu.dma_semaphore, #tpu.memory_space<semaphore_mem>>)
        %dma_wait3A_250 = arith.constant 0 : i32
        %dma_wait3A_251 = arith.constant 0 : i32
        %dma_wait3A_252 = tpu.memref_slice %arg9[%run_scoped3A, %dma_wait3A_250, %dma_wait3A_251] : memref<4x80x128xf32, #tpu.memory_space<vmem>> -> memref<1x80x128xf32, #tpu.memory_space<vmem>>
        %dma_wait3A_253 = tpu.memref_squeeze %dma_wait3A_252 : memref<1x80x128xf32, #tpu.memory_space<vmem>> -> memref<80x128xf32, #tpu.memory_space<vmem>>
        %dma_wait3A_254 = arith.constant 0 : i32
        %dma_wait3A_255 = tpu.memref_slice %arg8[%add3A_100, %dma_wait3A_254] : memref<10000x128xf32, #tpu.memory_space<vmem_shared>> -> memref<80x128xf32, #tpu.memory_space<vmem_shared>>
        %dma_wait3A_256 = arith.constant 0 : i32
        %dma_wait3A_257 = tpu.memref_slice %arg8[%add3A_100, %dma_wait3A_256] : memref<10000x128xf32, #tpu.memory_space<vmem_shared>> -> memref<80x128xf32, #tpu.memory_space<vmem_shared>>
        %dma_wait3A_258 = arith.constant 0 : i32
        %dma_wait3A_259 = arith.constant 0 : i32
        %dma_wait3A_260 = tpu.memref_slice %arg9[%run_scoped3A, %dma_wait3A_258, %dma_wait3A_259] : memref<4x80x128xf32, #tpu.memory_space<vmem>> -> memref<1x80x128xf32, #tpu.memory_space<vmem>>
        %dma_wait3A_261 = tpu.memref_squeeze %dma_wait3A_260 : memref<1x80x128xf32, #tpu.memory_space<vmem>> -> memref<80x128xf32, #tpu.memory_space<vmem>>
        tpu.wait_dma2 semaphore(%run_scoped3A_237 : memref<!tpu.dma_semaphore, #tpu.memory_space<semaphore_mem>>) src(%dma_wait3A_261 : memref<80x128xf32, #tpu.memory_space<vmem>>) dst(%dma_wait3A_257 : memref<80x128xf32, #tpu.memory_space<vmem_shared>>)
        tpu.yield
      }) : () -> ()
    } else {
    }
    %mul3A_106 = arith.constant 640 : i32
    %mul3A_107 = arith.muli %arg1, %mul3A_106 : i32
    %add3A_108 = arith.constant 320 : i32
    %add3A_109 = arith.addi %mul3A_107, %add3A_108 : i32
    %gt3A_110 = arith.constant 320 : i32
    %gt3A_111 = arith.cmpi sgt, %select_n3A, %gt3A_110 : i32
    %convert_element_type3A_112 = arith.extui %gt3A_111 : i1 to i32
    %cond3A_113 = arith.constant 0 : i32
    %cond3A_114 = arith.cmpi ne, %convert_element_type3A_112, %cond3A_113 : i32
    scf.if %cond3A_114 {
      %run_scoped3A = arith.constant 0 : i32
      "tpu.region"() ({
        %run_scoped3A_237 = tpu.sem_alloc : memref<!tpu.dma_semaphore, #tpu.memory_space<semaphore_mem>>
        %dma_start3A_238 = arith.constant 0 : i32
        %dma_start3A_239 = arith.constant 0 : i32
        %dma_start3A_240 = tpu.memref_slice %arg9[%run_scoped3A, %dma_start3A_238, %dma_start3A_239] : memref<4x80x128xf32, #tpu.memory_space<vmem>> -> memref<1x80x128xf32, #tpu.memory_space<vmem>>
        %dma_start3A_241 = tpu.memref_squeeze %dma_start3A_240 : memref<1x80x128xf32, #tpu.memory_space<vmem>> -> memref<80x128xf32, #tpu.memory_space<vmem>>
        %dma_start3A_242 = arith.constant 0 : i32
        %dma_start3A_243 = tpu.memref_slice %arg8[%add3A_109, %dma_start3A_242] : memref<10000x128xf32, #tpu.memory_space<vmem_shared>> -> memref<80x128xf32, #tpu.memory_space<vmem_shared>>
        %dma_start3A_244 = arith.constant 0 : i32
        %dma_start3A_245 = tpu.memref_slice %arg8[%add3A_109, %dma_start3A_244] : memref<10000x128xf32, #tpu.memory_space<vmem_shared>> -> memref<80x128xf32, #tpu.memory_space<vmem_shared>>
        %dma_start3A_246 = arith.constant 0 : i32
        %dma_start3A_247 = arith.constant 0 : i32
        %dma_start3A_248 = tpu.memref_slice %arg9[%run_scoped3A, %dma_start3A_246, %dma_start3A_247] : memref<4x80x128xf32, #tpu.memory_space<vmem>> -> memref<1x80x128xf32, #tpu.memory_space<vmem>>
        %dma_start3A_249 = tpu.memref_squeeze %dma_start3A_248 : memref<1x80x128xf32, #tpu.memory_space<vmem>> -> memref<80x128xf32, #tpu.memory_space<vmem>>
        tpu.enqueue_dma source(%dma_start3A_249 : memref<80x128xf32, #tpu.memory_space<vmem>>) target(%dma_start3A_245 : memref<80x128xf32, #tpu.memory_space<vmem_shared>>) target_semaphore(%run_scoped3A_237 : memref<!tpu.dma_semaphore, #tpu.memory_space<semaphore_mem>>)
        %dma_wait3A_250 = arith.constant 0 : i32
        %dma_wait3A_251 = arith.constant 0 : i32
        %dma_wait3A_252 = tpu.memref_slice %arg9[%run_scoped3A, %dma_wait3A_250, %dma_wait3A_251] : memref<4x80x128xf32, #tpu.memory_space<vmem>> -> memref<1x80x128xf32, #tpu.memory_space<vmem>>
        %dma_wait3A_253 = tpu.memref_squeeze %dma_wait3A_252 : memref<1x80x128xf32, #tpu.memory_space<vmem>> -> memref<80x128xf32, #tpu.memory_space<vmem>>
        %dma_wait3A_254 = arith.constant 0 : i32
        %dma_wait3A_255 = tpu.memref_slice %arg8[%add3A_109, %dma_wait3A_254] : memref<10000x128xf32, #tpu.memory_space<vmem_shared>> -> memref<80x128xf32, #tpu.memory_space<vmem_shared>>
        %dma_wait3A_256 = arith.constant 0 : i32
        %dma_wait3A_257 = tpu.memref_slice %arg8[%add3A_109, %dma_wait3A_256] : memref<10000x128xf32, #tpu.memory_space<vmem_shared>> -> memref<80x128xf32, #tpu.memory_space<vmem_shared>>
        %dma_wait3A_258 = arith.constant 0 : i32
        %dma_wait3A_259 = arith.constant 0 : i32
        %dma_wait3A_260 = tpu.memref_slice %arg9[%run_scoped3A, %dma_wait3A_258, %dma_wait3A_259] : memref<4x80x128xf32, #tpu.memory_space<vmem>> -> memref<1x80x128xf32, #tpu.memory_space<vmem>>
        %dma_wait3A_261 = tpu.memref_squeeze %dma_wait3A_260 : memref<1x80x128xf32, #tpu.memory_space<vmem>> -> memref<80x128xf32, #tpu.memory_space<vmem>>
        tpu.wait_dma2 semaphore(%run_scoped3A_237 : memref<!tpu.dma_semaphore, #tpu.memory_space<semaphore_mem>>) src(%dma_wait3A_261 : memref<80x128xf32, #tpu.memory_space<vmem>>) dst(%dma_wait3A_257 : memref<80x128xf32, #tpu.memory_space<vmem_shared>>)
        tpu.yield
      }) : () -> ()
    } else {
    }
    %mul3A_115 = arith.constant 640 : i32
    %mul3A_116 = arith.muli %arg1, %mul3A_115 : i32
    %add3A_117 = arith.constant 400 : i32
    %add3A_118 = arith.addi %mul3A_116, %add3A_117 : i32
    %gt3A_119 = arith.constant 400 : i32
    %gt3A_120 = arith.cmpi sgt, %select_n3A, %gt3A_119 : i32
    %convert_element_type3A_121 = arith.extui %gt3A_120 : i1 to i32
    %cond3A_122 = arith.constant 0 : i32
    %cond3A_123 = arith.cmpi ne, %convert_element_type3A_121, %cond3A_122 : i32
    scf.if %cond3A_123 {
      %run_scoped3A = arith.constant 0 : i32
      "tpu.region"() ({
        %run_scoped3A_237 = tpu.sem_alloc : memref<!tpu.dma_semaphore, #tpu.memory_space<semaphore_mem>>
        %dma_start3A_238 = arith.constant 0 : i32
        %dma_start3A_239 = arith.constant 0 : i32
        %dma_start3A_240 = tpu.memref_slice %arg9[%run_scoped3A, %dma_start3A_238, %dma_start3A_239] : memref<4x80x128xf32, #tpu.memory_space<vmem>> -> memref<1x80x128xf32, #tpu.memory_space<vmem>>
        %dma_start3A_241 = tpu.memref_squeeze %dma_start3A_240 : memref<1x80x128xf32, #tpu.memory_space<vmem>> -> memref<80x128xf32, #tpu.memory_space<vmem>>
        %dma_start3A_242 = arith.constant 0 : i32
        %dma_start3A_243 = tpu.memref_slice %arg8[%add3A_118, %dma_start3A_242] : memref<10000x128xf32, #tpu.memory_space<vmem_shared>> -> memref<80x128xf32, #tpu.memory_space<vmem_shared>>
        %dma_start3A_244 = arith.constant 0 : i32
        %dma_start3A_245 = tpu.memref_slice %arg8[%add3A_118, %dma_start3A_244] : memref<10000x128xf32, #tpu.memory_space<vmem_shared>> -> memref<80x128xf32, #tpu.memory_space<vmem_shared>>
        %dma_start3A_246 = arith.constant 0 : i32
        %dma_start3A_247 = arith.constant 0 : i32
        %dma_start3A_248 = tpu.memref_slice %arg9[%run_scoped3A, %dma_start3A_246, %dma_start3A_247] : memref<4x80x128xf32, #tpu.memory_space<vmem>> -> memref<1x80x128xf32, #tpu.memory_space<vmem>>
        %dma_start3A_249 = tpu.memref_squeeze %dma_start3A_248 : memref<1x80x128xf32, #tpu.memory_space<vmem>> -> memref<80x128xf32, #tpu.memory_space<vmem>>
        tpu.enqueue_dma source(%dma_start3A_249 : memref<80x128xf32, #tpu.memory_space<vmem>>) target(%dma_start3A_245 : memref<80x128xf32, #tpu.memory_space<vmem_shared>>) target_semaphore(%run_scoped3A_237 : memref<!tpu.dma_semaphore, #tpu.memory_space<semaphore_mem>>)
        %dma_wait3A_250 = arith.constant 0 : i32
        %dma_wait3A_251 = arith.constant 0 : i32
        %dma_wait3A_252 = tpu.memref_slice %arg9[%run_scoped3A, %dma_wait3A_250, %dma_wait3A_251] : memref<4x80x128xf32, #tpu.memory_space<vmem>> -> memref<1x80x128xf32, #tpu.memory_space<vmem>>
        %dma_wait3A_253 = tpu.memref_squeeze %dma_wait3A_252 : memref<1x80x128xf32, #tpu.memory_space<vmem>> -> memref<80x128xf32, #tpu.memory_space<vmem>>
        %dma_wait3A_254 = arith.constant 0 : i32
        %dma_wait3A_255 = tpu.memref_slice %arg8[%add3A_118, %dma_wait3A_254] : memref<10000x128xf32, #tpu.memory_space<vmem_shared>> -> memref<80x128xf32, #tpu.memory_space<vmem_shared>>
        %dma_wait3A_256 = arith.constant 0 : i32
        %dma_wait3A_257 = tpu.memref_slice %arg8[%add3A_118, %dma_wait3A_256] : memref<10000x128xf32, #tpu.memory_space<vmem_shared>> -> memref<80x128xf32, #tpu.memory_space<vmem_shared>>
        %dma_wait3A_258 = arith.constant 0 : i32
        %dma_wait3A_259 = arith.constant 0 : i32
        %dma_wait3A_260 = tpu.memref_slice %arg9[%run_scoped3A, %dma_wait3A_258, %dma_wait3A_259] : memref<4x80x128xf32, #tpu.memory_space<vmem>> -> memref<1x80x128xf32, #tpu.memory_space<vmem>>
        %dma_wait3A_261 = tpu.memref_squeeze %dma_wait3A_260 : memref<1x80x128xf32, #tpu.memory_space<vmem>> -> memref<80x128xf32, #tpu.memory_space<vmem>>
        tpu.wait_dma2 semaphore(%run_scoped3A_237 : memref<!tpu.dma_semaphore, #tpu.memory_space<semaphore_mem>>) src(%dma_wait3A_261 : memref<80x128xf32, #tpu.memory_space<vmem>>) dst(%dma_wait3A_257 : memref<80x128xf32, #tpu.memory_space<vmem_shared>>)
        tpu.yield
      }) : () -> ()
    } else {
    }
    %mul3A_124 = arith.constant 640 : i32
    %mul3A_125 = arith.muli %arg1, %mul3A_124 : i32
    %add3A_126 = arith.constant 480 : i32
    %add3A_127 = arith.addi %mul3A_125, %add3A_126 : i32
    %gt3A_128 = arith.constant 480 : i32
    %gt3A_129 = arith.cmpi sgt, %select_n3A, %gt3A_128 : i32
    %convert_element_type3A_130 = arith.extui %gt3A_129 : i1 to i32
    %cond3A_131 = arith.constant 0 : i32
    %cond3A_132 = arith.cmpi ne, %convert_element_type3A_130, %cond3A_131 : i32
    scf.if %cond3A_132 {
      %run_scoped3A = arith.constant 0 : i32
      "tpu.region"() ({
        %run_scoped3A_237 = tpu.sem_alloc : memref<!tpu.dma_semaphore, #tpu.memory_space<semaphore_mem>>
        %dma_start3A_238 = arith.constant 0 : i32
        %dma_start3A_239 = arith.constant 0 : i32
        %dma_start3A_240 = tpu.memref_slice %arg9[%run_scoped3A, %dma_start3A_238, %dma_start3A_239] : memref<4x80x128xf32, #tpu.memory_space<vmem>> -> memref<1x80x128xf32, #tpu.memory_space<vmem>>
        %dma_start3A_241 = tpu.memref_squeeze %dma_start3A_240 : memref<1x80x128xf32, #tpu.memory_space<vmem>> -> memref<80x128xf32, #tpu.memory_space<vmem>>
        %dma_start3A_242 = arith.constant 0 : i32
        %dma_start3A_243 = tpu.memref_slice %arg8[%add3A_127, %dma_start3A_242] : memref<10000x128xf32, #tpu.memory_space<vmem_shared>> -> memref<80x128xf32, #tpu.memory_space<vmem_shared>>
        %dma_start3A_244 = arith.constant 0 : i32
        %dma_start3A_245 = tpu.memref_slice %arg8[%add3A_127, %dma_start3A_244] : memref<10000x128xf32, #tpu.memory_space<vmem_shared>> -> memref<80x128xf32, #tpu.memory_space<vmem_shared>>
        %dma_start3A_246 = arith.constant 0 : i32
        %dma_start3A_247 = arith.constant 0 : i32
        %dma_start3A_248 = tpu.memref_slice %arg9[%run_scoped3A, %dma_start3A_246, %dma_start3A_247] : memref<4x80x128xf32, #tpu.memory_space<vmem>> -> memref<1x80x128xf32, #tpu.memory_space<vmem>>
        %dma_start3A_249 = tpu.memref_squeeze %dma_start3A_248 : memref<1x80x128xf32, #tpu.memory_space<vmem>> -> memref<80x128xf32, #tpu.memory_space<vmem>>
        tpu.enqueue_dma source(%dma_start3A_249 : memref<80x128xf32, #tpu.memory_space<vmem>>) target(%dma_start3A_245 : memref<80x128xf32, #tpu.memory_space<vmem_shared>>) target_semaphore(%run_scoped3A_237 : memref<!tpu.dma_semaphore, #tpu.memory_space<semaphore_mem>>)
        %dma_wait3A_250 = arith.constant 0 : i32
        %dma_wait3A_251 = arith.constant 0 : i32
        %dma_wait3A_252 = tpu.memref_slice %arg9[%run_scoped3A, %dma_wait3A_250, %dma_wait3A_251] : memref<4x80x128xf32, #tpu.memory_space<vmem>> -> memref<1x80x128xf32, #tpu.memory_space<vmem>>
        %dma_wait3A_253 = tpu.memref_squeeze %dma_wait3A_252 : memref<1x80x128xf32, #tpu.memory_space<vmem>> -> memref<80x128xf32, #tpu.memory_space<vmem>>
        %dma_wait3A_254 = arith.constant 0 : i32
        %dma_wait3A_255 = tpu.memref_slice %arg8[%add3A_127, %dma_wait3A_254] : memref<10000x128xf32, #tpu.memory_space<vmem_shared>> -> memref<80x128xf32, #tpu.memory_space<vmem_shared>>
        %dma_wait3A_256 = arith.constant 0 : i32
        %dma_wait3A_257 = tpu.memref_slice %arg8[%add3A_127, %dma_wait3A_256] : memref<10000x128xf32, #tpu.memory_space<vmem_shared>> -> memref<80x128xf32, #tpu.memory_space<vmem_shared>>
        %dma_wait3A_258 = arith.constant 0 : i32
        %dma_wait3A_259 = arith.constant 0 : i32
        %dma_wait3A_260 = tpu.memref_slice %arg9[%run_scoped3A, %dma_wait3A_258, %dma_wait3A_259] : memref<4x80x128xf32, #tpu.memory_space<vmem>> -> memref<1x80x128xf32, #tpu.memory_space<vmem>>
        %dma_wait3A_261 = tpu.memref_squeeze %dma_wait3A_260 : memref<1x80x128xf32, #tpu.memory_space<vmem>> -> memref<80x128xf32, #tpu.memory_space<vmem>>
        tpu.wait_dma2 semaphore(%run_scoped3A_237 : memref<!tpu.dma_semaphore, #tpu.memory_space<semaphore_mem>>) src(%dma_wait3A_261 : memref<80x128xf32, #tpu.memory_space<vmem>>) dst(%dma_wait3A_257 : memref<80x128xf32, #tpu.memory_space<vmem_shared>>)
        tpu.yield
      }) : () -> ()
    } else {
    }
    %mul3A_133 = arith.constant 640 : i32
    %mul3A_134 = arith.muli %arg1, %mul3A_133 : i32
    %add3A_135 = arith.constant 560 : i32
    %add3A_136 = arith.addi %mul3A_134, %add3A_135 : i32
    %gt3A_137 = arith.constant 560 : i32
    %gt3A_138 = arith.cmpi sgt, %select_n3A, %gt3A_137 : i32
    %convert_element_type3A_139 = arith.extui %gt3A_138 : i1 to i32
    %cond3A_140 = arith.constant 0 : i32
    %cond3A_141 = arith.cmpi ne, %convert_element_type3A_139, %cond3A_140 : i32
    scf.if %cond3A_141 {
      %run_scoped3A = arith.constant 0 : i32
      "tpu.region"() ({
        %run_scoped3A_237 = tpu.sem_alloc : memref<!tpu.dma_semaphore, #tpu.memory_space<semaphore_mem>>
        %dma_start3A_238 = arith.constant 0 : i32
        %dma_start3A_239 = arith.constant 0 : i32
        %dma_start3A_240 = tpu.memref_slice %arg9[%run_scoped3A, %dma_start3A_238, %dma_start3A_239] : memref<4x80x128xf32, #tpu.memory_space<vmem>> -> memref<1x80x128xf32, #tpu.memory_space<vmem>>
        %dma_start3A_241 = tpu.memref_squeeze %dma_start3A_240 : memref<1x80x128xf32, #tpu.memory_space<vmem>> -> memref<80x128xf32, #tpu.memory_space<vmem>>
        %dma_start3A_242 = arith.constant 0 : i32
        %dma_start3A_243 = tpu.memref_slice %arg8[%add3A_136, %dma_start3A_242] : memref<10000x128xf32, #tpu.memory_space<vmem_shared>> -> memref<80x128xf32, #tpu.memory_space<vmem_shared>>
        %dma_start3A_244 = arith.constant 0 : i32
        %dma_start3A_245 = tpu.memref_slice %arg8[%add3A_136, %dma_start3A_244] : memref<10000x128xf32, #tpu.memory_space<vmem_shared>> -> memref<80x128xf32, #tpu.memory_space<vmem_shared>>
        %dma_start3A_246 = arith.constant 0 : i32
        %dma_start3A_247 = arith.constant 0 : i32
        %dma_start3A_248 = tpu.memref_slice %arg9[%run_scoped3A, %dma_start3A_246, %dma_start3A_247] : memref<4x80x128xf32, #tpu.memory_space<vmem>> -> memref<1x80x128xf32, #tpu.memory_space<vmem>>
        %dma_start3A_249 = tpu.memref_squeeze %dma_start3A_248 : memref<1x80x128xf32, #tpu.memory_space<vmem>> -> memref<80x128xf32, #tpu.memory_space<vmem>>
        tpu.enqueue_dma source(%dma_start3A_249 : memref<80x128xf32, #tpu.memory_space<vmem>>) target(%dma_start3A_245 : memref<80x128xf32, #tpu.memory_space<vmem_shared>>) target_semaphore(%run_scoped3A_237 : memref<!tpu.dma_semaphore, #tpu.memory_space<semaphore_mem>>)
        %dma_wait3A_250 = arith.constant 0 : i32
        %dma_wait3A_251 = arith.constant 0 : i32
        %dma_wait3A_252 = tpu.memref_slice %arg9[%run_scoped3A, %dma_wait3A_250, %dma_wait3A_251] : memref<4x80x128xf32, #tpu.memory_space<vmem>> -> memref<1x80x128xf32, #tpu.memory_space<vmem>>
        %dma_wait3A_253 = tpu.memref_squeeze %dma_wait3A_252 : memref<1x80x128xf32, #tpu.memory_space<vmem>> -> memref<80x128xf32, #tpu.memory_space<vmem>>
        %dma_wait3A_254 = arith.constant 0 : i32
        %dma_wait3A_255 = tpu.memref_slice %arg8[%add3A_136, %dma_wait3A_254] : memref<10000x128xf32, #tpu.memory_space<vmem_shared>> -> memref<80x128xf32, #tpu.memory_space<vmem_shared>>
        %dma_wait3A_256 = arith.constant 0 : i32
        %dma_wait3A_257 = tpu.memref_slice %arg8[%add3A_136, %dma_wait3A_256] : memref<10000x128xf32, #tpu.memory_space<vmem_shared>> -> memref<80x128xf32, #tpu.memory_space<vmem_shared>>
        %dma_wait3A_258 = arith.constant 0 : i32
        %dma_wait3A_259 = arith.constant 0 : i32
        %dma_wait3A_260 = tpu.memref_slice %arg9[%run_scoped3A, %dma_wait3A_258, %dma_wait3A_259] : memref<4x80x128xf32, #tpu.memory_space<vmem>> -> memref<1x80x128xf32, #tpu.memory_space<vmem>>
        %dma_wait3A_261 = tpu.memref_squeeze %dma_wait3A_260 : memref<1x80x128xf32, #tpu.memory_space<vmem>> -> memref<80x128xf32, #tpu.memory_space<vmem>>
        tpu.wait_dma2 semaphore(%run_scoped3A_237 : memref<!tpu.dma_semaphore, #tpu.memory_space<semaphore_mem>>) src(%dma_wait3A_261 : memref<80x128xf32, #tpu.memory_space<vmem>>) dst(%dma_wait3A_257 : memref<80x128xf32, #tpu.memory_space<vmem_shared>>)
        tpu.yield
      }) : () -> ()
    } else {
    }
    %add3A_142 = arith.constant 0 : i32
    %add3A_143 = arith.addi %mul3A_2, %add3A_142 : i32
    %dma_start3A_144 = arith.constant 0 : i32
    %dma_start3A_145 = arith.constant 0 : i32
    %dma_start3A_146 = arith.constant 0 : i32
    %dma_start3A_147 = arith.constant 0 : i32
    %dma_start3A_148 = tpu.memref_slice %arg9[%dma_start3A_144, %dma_start3A_146, %dma_start3A_147] : memref<4x80x128xf32, #tpu.memory_space<vmem>> -> memref<1x80x128xf32, #tpu.memory_space<vmem>>
    %dma_start3A_149 = tpu.memref_squeeze %dma_start3A_148 : memref<1x80x128xf32, #tpu.memory_space<vmem>> -> memref<80x128xf32, #tpu.memory_space<vmem>>
    %dma_start3A_150 = arith.constant 0 : i32
    %dma_start3A_151 = tpu.memref_slice %arg2[%add3A_143, %dma_start3A_150] : memref<320000x128xf32, #tpu.memory_space<hbm>> -> memref<80x128xf32, #tpu.memory_space<hbm>>
    %dma_start3A_152 = tpu.memref_slice %arg7[%dma_start3A_145] : memref<4x!tpu.dma_semaphore, #tpu.memory_space<semaphore_mem>> -> memref<1x!tpu.dma_semaphore, #tpu.memory_space<semaphore_mem>>
    %dma_start3A_153 = tpu.memref_squeeze %dma_start3A_152 : memref<1x!tpu.dma_semaphore, #tpu.memory_space<semaphore_mem>> -> memref<!tpu.dma_semaphore, #tpu.memory_space<semaphore_mem>>
    %dma_start3A_154 = arith.constant 0 : i32
    %dma_start3A_155 = arith.constant 0 : i32
    %dma_start3A_156 = tpu.memref_slice %arg9[%dma_start3A_144, %dma_start3A_154, %dma_start3A_155] : memref<4x80x128xf32, #tpu.memory_space<vmem>> -> memref<1x80x128xf32, #tpu.memory_space<vmem>>
    %dma_start3A_157 = tpu.memref_squeeze %dma_start3A_156 : memref<1x80x128xf32, #tpu.memory_space<vmem>> -> memref<80x128xf32, #tpu.memory_space<vmem>>
    %dma_start3A_158 = arith.constant 0 : i32
    %dma_start3A_159 = tpu.memref_slice %arg2[%add3A_143, %dma_start3A_158] : memref<320000x128xf32, #tpu.memory_space<hbm>> -> memref<80x128xf32, #tpu.memory_space<hbm>>
    tpu.enqueue_dma source(%dma_start3A_159 : memref<80x128xf32, #tpu.memory_space<hbm>>) target(%dma_start3A_157 : memref<80x128xf32, #tpu.memory_space<vmem>>) target_semaphore(%dma_start3A_153 : memref<!tpu.dma_semaphore, #tpu.memory_space<semaphore_mem>>)
    %dma_wait3A = arith.constant 0 : i32
    %dma_wait3A_160 = arith.constant 0 : i32
    %dma_wait3A_161 = tpu.memref_slice %arg3[%add3A, %dma_wait3A, %dma_wait3A_160] : memref<32x125x80xi32, #tpu.memory_space<hbm>> -> memref<1x125x80xi32, #tpu.memory_space<hbm>>
    %dma_wait3A_162 = tpu.memref_squeeze %dma_wait3A_161 : memref<1x125x80xi32, #tpu.memory_space<hbm>> -> memref<125x80xi32, #tpu.memory_space<hbm>>
    %dma_wait3A_163 = arith.constant 0 : i32
    %dma_wait3A_164 = arith.constant 0 : i32
    %dma_wait3A_165 = tpu.memref_slice %arg3[%add3A, %dma_wait3A_163, %dma_wait3A_164] : memref<32x125x80xi32, #tpu.memory_space<hbm>> -> memref<1x125x80xi32, #tpu.memory_space<hbm>>
    %dma_wait3A_166 = tpu.memref_squeeze %dma_wait3A_165 : memref<1x125x80xi32, #tpu.memory_space<hbm>> -> memref<125x80xi32, #tpu.memory_space<hbm>>
    tpu.wait_dma2 semaphore(%arg6 : memref<!tpu.dma_semaphore, #tpu.memory_space<semaphore_mem>>) src(%dma_wait3A_166 : memref<125x80xi32, #tpu.memory_space<hbm>>) dst(%arg5 : memref<125x80xi32, #tpu.memory_space<vmem>>)
    %barrier3A = arith.constant 0 : index
    tpu.barrier barrier_id(%barrier3A)
    %scan3A_167 = arith.constant 0 : i32
    %scan3A_168 = arith.constant 0 : i32
    %scan3A_169 = arith.constant 31 : i32
    %scan3A_170 = arith.addi %scan3A_168, %scan3A_169 : i32
    %scan3A_171 = arith.constant 1 : i32
    %scan3A_172 = scf.for %scan3A_237 = %scan3A_168 to %scan3A_170 step %scan3A_171 iter_args(%scan3A_238 = %scan3A_167) -> (i32)  : i32 {
      %mul3A_239 = arith.constant 4 : i32
      %mul3A_240 = arith.muli %scan3A_237, %mul3A_239 : i32
      %add3A_241 = arith.constant 0 : i32
      %add3A_242 = arith.addi %mul3A_240, %add3A_241 : i32
      %mul3A_243 = arith.constant 80 : i32
      %mul3A_244 = arith.muli %add3A_242, %mul3A_243 : i32
      %add3A_245 = arith.addi %mul3A_2, %mul3A_244 : i32
      %dma_wait3A_246 = arith.constant 0 : i32
      %dma_wait3A_247 = arith.constant 0 : i32
      %dma_wait3A_248 = arith.constant 0 : i32
      %dma_wait3A_249 = arith.constant 0 : i32
      %dma_wait3A_250 = tpu.memref_slice %arg9[%dma_wait3A_246, %dma_wait3A_248, %dma_wait3A_249] : memref<4x80x128xf32, #tpu.memory_space<vmem>> -> memref<1x80x128xf32, #tpu.memory_space<vmem>>
      %dma_wait3A_251 = tpu.memref_squeeze %dma_wait3A_250 : memref<1x80x128xf32, #tpu.memory_space<vmem>> -> memref<80x128xf32, #tpu.memory_space<vmem>>
      %dma_wait3A_252 = arith.constant 0 : i32
      %dma_wait3A_253 = tpu.memref_slice %arg2[%add3A_245, %dma_wait3A_252] : memref<320000x128xf32, #tpu.memory_space<hbm>> -> memref<80x128xf32, #tpu.memory_space<hbm>>
      %dma_wait3A_254 = tpu.memref_slice %arg7[%dma_wait3A_247] : memref<4x!tpu.dma_semaphore, #tpu.memory_space<semaphore_mem>> -> memref<1x!tpu.dma_semaphore, #tpu.memory_space<semaphore_mem>>
      %dma_wait3A_255 = tpu.memref_squeeze %dma_wait3A_254 : memref<1x!tpu.dma_semaphore, #tpu.memory_space<semaphore_mem>> -> memref<!tpu.dma_semaphore, #tpu.memory_space<semaphore_mem>>
      %dma_wait3A_256 = arith.constant 0 : i32
      %dma_wait3A_257 = arith.constant 0 : i32
      %dma_wait3A_258 = tpu.memref_slice %arg9[%dma_wait3A_246, %dma_wait3A_256, %dma_wait3A_257] : memref<4x80x128xf32, #tpu.memory_space<vmem>> -> memref<1x80x128xf32, #tpu.memory_space<vmem>>
      %dma_wait3A_259 = tpu.memref_squeeze %dma_wait3A_258 : memref<1x80x128xf32, #tpu.memory_space<vmem>> -> memref<80x128xf32, #tpu.memory_space<vmem>>
      %dma_wait3A_260 = arith.constant 0 : i32
      %dma_wait3A_261 = tpu.memref_slice %arg2[%add3A_245, %dma_wait3A_260] : memref<320000x128xf32, #tpu.memory_space<hbm>> -> memref<80x128xf32, #tpu.memory_space<hbm>>
      tpu.wait_dma2 semaphore(%dma_wait3A_255 : memref<!tpu.dma_semaphore, #tpu.memory_space<semaphore_mem>>) src(%dma_wait3A_261 : memref<80x128xf32, #tpu.memory_space<hbm>>) dst(%dma_wait3A_259 : memref<80x128xf32, #tpu.memory_space<vmem>>)
      %dma_start3A_262 = arith.constant 0 : i32
      %dma_start3A_263 = arith.constant 0 : i32
      %dma_start3A_264 = arith.constant 0 : i32
      %dma_start3A_265 = arith.constant 0 : i32
      %dma_start3A_266 = tpu.memref_slice %arg9[%dma_start3A_262, %dma_start3A_264, %dma_start3A_265] : memref<4x80x128xf32, #tpu.memory_space<vmem>> -> memref<1x80x128xf32, #tpu.memory_space<vmem>>
      %dma_start3A_267 = tpu.memref_squeeze %dma_start3A_266 : memref<1x80x128xf32, #tpu.memory_space<vmem>> -> memref<80x128xf32, #tpu.memory_space<vmem>>
      %dma_start3A_268 = arith.constant 0 : i32
      %dma_start3A_269 = tpu.memref_slice %arg5[%add3A_242, %dma_start3A_268] : memref<125x80xi32, #tpu.memory_space<vmem>> -> memref<1x80xi32, #tpu.memory_space<vmem>>
      %dma_start3A_270 = tpu.memref_squeeze %dma_start3A_269 : memref<1x80xi32, #tpu.memory_space<vmem>> -> memref<80xi32, #tpu.memory_space<vmem>>
      %dma_start3A_271 = arith.constant 0 : i32
      %dma_start3A_272 = arith.constant 0 : i32
      %dma_start3A_273 = tpu.memref_slice %arg8[%dma_start3A_271, %dma_start3A_272] : memref<10000x128xf32, #tpu.memory_space<vmem_shared>> -> memref<10000x128xf32, #tpu.memory_space<vmem_shared>>
      %dma_start3A_274 = tpu.memref_slice %arg10[%dma_start3A_263] : memref<4x!tpu.dma_semaphore, #tpu.memory_space<semaphore_mem>> -> memref<1x!tpu.dma_semaphore, #tpu.memory_space<semaphore_mem>>
      %dma_start3A_275 = tpu.memref_squeeze %dma_start3A_274 : memref<1x!tpu.dma_semaphore, #tpu.memory_space<semaphore_mem>> -> memref<!tpu.dma_semaphore, #tpu.memory_space<semaphore_mem>>
      tpu.enqueue_indirect_dma source(%dma_start3A_267 : memref<80x128xf32, #tpu.memory_space<vmem>>) target(%dma_start3A_273 : memref<10000x128xf32, #tpu.memory_space<vmem_shared>>) offsets(%dma_start3A_270 : memref<80xi32, #tpu.memory_space<vmem>>) semaphore(%dma_start3A_275 : memref<!tpu.dma_semaphore, #tpu.memory_space<semaphore_mem>>) {add = true}
      %mul3A_276 = arith.constant 4 : i32
      %mul3A_277 = arith.muli %scan3A_237, %mul3A_276 : i32
      %add3A_278 = arith.constant 1 : i32
      %add3A_279 = arith.addi %mul3A_277, %add3A_278 : i32
      %mul3A_280 = arith.constant 80 : i32
      %mul3A_281 = arith.muli %add3A_279, %mul3A_280 : i32
      %add3A_282 = arith.addi %mul3A_2, %mul3A_281 : i32
      %dma_wait3A_283 = arith.constant 1 : i32
      %dma_wait3A_284 = arith.constant 1 : i32
      %dma_wait3A_285 = arith.constant 0 : i32
      %dma_wait3A_286 = arith.constant 0 : i32
      %dma_wait3A_287 = tpu.memref_slice %arg9[%dma_wait3A_283, %dma_wait3A_285, %dma_wait3A_286] : memref<4x80x128xf32, #tpu.memory_space<vmem>> -> memref<1x80x128xf32, #tpu.memory_space<vmem>>
      %dma_wait3A_288 = tpu.memref_squeeze %dma_wait3A_287 : memref<1x80x128xf32, #tpu.memory_space<vmem>> -> memref<80x128xf32, #tpu.memory_space<vmem>>
      %dma_wait3A_289 = arith.constant 0 : i32
      %dma_wait3A_290 = tpu.memref_slice %arg2[%add3A_282, %dma_wait3A_289] : memref<320000x128xf32, #tpu.memory_space<hbm>> -> memref<80x128xf32, #tpu.memory_space<hbm>>
      %dma_wait3A_291 = tpu.memref_slice %arg7[%dma_wait3A_284] : memref<4x!tpu.dma_semaphore, #tpu.memory_space<semaphore_mem>> -> memref<1x!tpu.dma_semaphore, #tpu.memory_space<semaphore_mem>>
      %dma_wait3A_292 = tpu.memref_squeeze %dma_wait3A_291 : memref<1x!tpu.dma_semaphore, #tpu.memory_space<semaphore_mem>> -> memref<!tpu.dma_semaphore, #tpu.memory_space<semaphore_mem>>
      %dma_wait3A_293 = arith.constant 0 : i32
      %dma_wait3A_294 = arith.constant 0 : i32
      %dma_wait3A_295 = tpu.memref_slice %arg9[%dma_wait3A_283, %dma_wait3A_293, %dma_wait3A_294] : memref<4x80x128xf32, #tpu.memory_space<vmem>> -> memref<1x80x128xf32, #tpu.memory_space<vmem>>
      %dma_wait3A_296 = tpu.memref_squeeze %dma_wait3A_295 : memref<1x80x128xf32, #tpu.memory_space<vmem>> -> memref<80x128xf32, #tpu.memory_space<vmem>>
      %dma_wait3A_297 = arith.constant 0 : i32
      %dma_wait3A_298 = tpu.memref_slice %arg2[%add3A_282, %dma_wait3A_297] : memref<320000x128xf32, #tpu.memory_space<hbm>> -> memref<80x128xf32, #tpu.memory_space<hbm>>
      tpu.wait_dma2 semaphore(%dma_wait3A_292 : memref<!tpu.dma_semaphore, #tpu.memory_space<semaphore_mem>>) src(%dma_wait3A_298 : memref<80x128xf32, #tpu.memory_space<hbm>>) dst(%dma_wait3A_296 : memref<80x128xf32, #tpu.memory_space<vmem>>)
      %dma_start3A_299 = arith.constant 1 : i32
      %dma_start3A_300 = arith.constant 1 : i32
      %dma_start3A_301 = arith.constant 0 : i32
      %dma_start3A_302 = arith.constant 0 : i32
      %dma_start3A_303 = tpu.memref_slice %arg9[%dma_start3A_299, %dma_start3A_301, %dma_start3A_302] : memref<4x80x128xf32, #tpu.memory_space<vmem>> -> memref<1x80x128xf32, #tpu.memory_space<vmem>>
      %dma_start3A_304 = tpu.memref_squeeze %dma_start3A_303 : memref<1x80x128xf32, #tpu.memory_space<vmem>> -> memref<80x128xf32, #tpu.memory_space<vmem>>
      %dma_start3A_305 = arith.constant 0 : i32
      %dma_start3A_306 = tpu.memref_slice %arg5[%add3A_279, %dma_start3A_305] : memref<125x80xi32, #tpu.memory_space<vmem>> -> memref<1x80xi32, #tpu.memory_space<vmem>>
      %dma_start3A_307 = tpu.memref_squeeze %dma_start3A_306 : memref<1x80xi32, #tpu.memory_space<vmem>> -> memref<80xi32, #tpu.memory_space<vmem>>
      %dma_start3A_308 = arith.constant 0 : i32
      %dma_start3A_309 = arith.constant 0 : i32
      %dma_start3A_310 = tpu.memref_slice %arg8[%dma_start3A_308, %dma_start3A_309] : memref<10000x128xf32, #tpu.memory_space<vmem_shared>> -> memref<10000x128xf32, #tpu.memory_space<vmem_shared>>
      %dma_start3A_311 = tpu.memref_slice %arg10[%dma_start3A_300] : memref<4x!tpu.dma_semaphore, #tpu.memory_space<semaphore_mem>> -> memref<1x!tpu.dma_semaphore, #tpu.memory_space<semaphore_mem>>
      %dma_start3A_312 = tpu.memref_squeeze %dma_start3A_311 : memref<1x!tpu.dma_semaphore, #tpu.memory_space<semaphore_mem>> -> memref<!tpu.dma_semaphore, #tpu.memory_space<semaphore_mem>>
      tpu.enqueue_indirect_dma source(%dma_start3A_304 : memref<80x128xf32, #tpu.memory_space<vmem>>) target(%dma_start3A_310 : memref<10000x128xf32, #tpu.memory_space<vmem_shared>>) offsets(%dma_start3A_307 : memref<80xi32, #tpu.memory_space<vmem>>) semaphore(%dma_start3A_312 : memref<!tpu.dma_semaphore, #tpu.memory_space<semaphore_mem>>) {add = true}
      %mul3A_313 = arith.constant 4 : i32
      %mul3A_314 = arith.muli %scan3A_237, %mul3A_313 : i32
      %add3A_315 = arith.constant 2 : i32
      %add3A_316 = arith.addi %mul3A_314, %add3A_315 : i32
      %mul3A_317 = arith.constant 80 : i32
      %mul3A_318 = arith.muli %add3A_316, %mul3A_317 : i32
      %add3A_319 = arith.addi %mul3A_2, %mul3A_318 : i32
      %dma_wait3A_320 = arith.constant 2 : i32
      %dma_wait3A_321 = arith.constant 2 : i32
      %dma_wait3A_322 = arith.constant 0 : i32
      %dma_wait3A_323 = arith.constant 0 : i32
      %dma_wait3A_324 = tpu.memref_slice %arg9[%dma_wait3A_320, %dma_wait3A_322, %dma_wait3A_323] : memref<4x80x128xf32, #tpu.memory_space<vmem>> -> memref<1x80x128xf32, #tpu.memory_space<vmem>>
      %dma_wait3A_325 = tpu.memref_squeeze %dma_wait3A_324 : memref<1x80x128xf32, #tpu.memory_space<vmem>> -> memref<80x128xf32, #tpu.memory_space<vmem>>
      %dma_wait3A_326 = arith.constant 0 : i32
      %dma_wait3A_327 = tpu.memref_slice %arg2[%add3A_319, %dma_wait3A_326] : memref<320000x128xf32, #tpu.memory_space<hbm>> -> memref<80x128xf32, #tpu.memory_space<hbm>>
      %dma_wait3A_328 = tpu.memref_slice %arg7[%dma_wait3A_321] : memref<4x!tpu.dma_semaphore, #tpu.memory_space<semaphore_mem>> -> memref<1x!tpu.dma_semaphore, #tpu.memory_space<semaphore_mem>>
      %dma_wait3A_329 = tpu.memref_squeeze %dma_wait3A_328 : memref<1x!tpu.dma_semaphore, #tpu.memory_space<semaphore_mem>> -> memref<!tpu.dma_semaphore, #tpu.memory_space<semaphore_mem>>
      %dma_wait3A_330 = arith.constant 0 : i32
      %dma_wait3A_331 = arith.constant 0 : i32
      %dma_wait3A_332 = tpu.memref_slice %arg9[%dma_wait3A_320, %dma_wait3A_330, %dma_wait3A_331] : memref<4x80x128xf32, #tpu.memory_space<vmem>> -> memref<1x80x128xf32, #tpu.memory_space<vmem>>
      %dma_wait3A_333 = tpu.memref_squeeze %dma_wait3A_332 : memref<1x80x128xf32, #tpu.memory_space<vmem>> -> memref<80x128xf32, #tpu.memory_space<vmem>>
      %dma_wait3A_334 = arith.constant 0 : i32
      %dma_wait3A_335 = tpu.memref_slice %arg2[%add3A_319, %dma_wait3A_334] : memref<320000x128xf32, #tpu.memory_space<hbm>> -> memref<80x128xf32, #tpu.memory_space<hbm>>
      tpu.wait_dma2 semaphore(%dma_wait3A_329 : memref<!tpu.dma_semaphore, #tpu.memory_space<semaphore_mem>>) src(%dma_wait3A_335 : memref<80x128xf32, #tpu.memory_space<hbm>>) dst(%dma_wait3A_333 : memref<80x128xf32, #tpu.memory_space<vmem>>)
      %dma_start3A_336 = arith.constant 2 : i32
      %dma_start3A_337 = arith.constant 2 : i32
      %dma_start3A_338 = arith.constant 0 : i32
      %dma_start3A_339 = arith.constant 0 : i32
      %dma_start3A_340 = tpu.memref_slice %arg9[%dma_start3A_336, %dma_start3A_338, %dma_start3A_339] : memref<4x80x128xf32, #tpu.memory_space<vmem>> -> memref<1x80x128xf32, #tpu.memory_space<vmem>>
      %dma_start3A_341 = tpu.memref_squeeze %dma_start3A_340 : memref<1x80x128xf32, #tpu.memory_space<vmem>> -> memref<80x128xf32, #tpu.memory_space<vmem>>
      %dma_start3A_342 = arith.constant 0 : i32
      %dma_start3A_343 = tpu.memref_slice %arg5[%add3A_316, %dma_start3A_342] : memref<125x80xi32, #tpu.memory_space<vmem>> -> memref<1x80xi32, #tpu.memory_space<vmem>>
      %dma_start3A_344 = tpu.memref_squeeze %dma_start3A_343 : memref<1x80xi32, #tpu.memory_space<vmem>> -> memref<80xi32, #tpu.memory_space<vmem>>
      %dma_start3A_345 = arith.constant 0 : i32
      %dma_start3A_346 = arith.constant 0 : i32
      %dma_start3A_347 = tpu.memref_slice %arg8[%dma_start3A_345, %dma_start3A_346] : memref<10000x128xf32, #tpu.memory_space<vmem_shared>> -> memref<10000x128xf32, #tpu.memory_space<vmem_shared>>
      %dma_start3A_348 = tpu.memref_slice %arg10[%dma_start3A_337] : memref<4x!tpu.dma_semaphore, #tpu.memory_space<semaphore_mem>> -> memref<1x!tpu.dma_semaphore, #tpu.memory_space<semaphore_mem>>
      %dma_start3A_349 = tpu.memref_squeeze %dma_start3A_348 : memref<1x!tpu.dma_semaphore, #tpu.memory_space<semaphore_mem>> -> memref<!tpu.dma_semaphore, #tpu.memory_space<semaphore_mem>>
      tpu.enqueue_indirect_dma source(%dma_start3A_341 : memref<80x128xf32, #tpu.memory_space<vmem>>) target(%dma_start3A_347 : memref<10000x128xf32, #tpu.memory_space<vmem_shared>>) offsets(%dma_start3A_344 : memref<80xi32, #tpu.memory_space<vmem>>) semaphore(%dma_start3A_349 : memref<!tpu.dma_semaphore, #tpu.memory_space<semaphore_mem>>) {add = true}
      %mul3A_350 = arith.constant 4 : i32
      %mul3A_351 = arith.muli %scan3A_237, %mul3A_350 : i32
      %add3A_352 = arith.constant 3 : i32
      %add3A_353 = arith.addi %mul3A_351, %add3A_352 : i32
      %mul3A_354 = arith.constant 80 : i32
      %mul3A_355 = arith.muli %add3A_353, %mul3A_354 : i32
      %add3A_356 = arith.addi %mul3A_2, %mul3A_355 : i32
      %dma_wait3A_357 = arith.constant 3 : i32
      %dma_wait3A_358 = arith.constant 3 : i32
      %dma_wait3A_359 = arith.constant 0 : i32
      %dma_wait3A_360 = arith.constant 0 : i32
      %dma_wait3A_361 = tpu.memref_slice %arg9[%dma_wait3A_357, %dma_wait3A_359, %dma_wait3A_360] : memref<4x80x128xf32, #tpu.memory_space<vmem>> -> memref<1x80x128xf32, #tpu.memory_space<vmem>>
      %dma_wait3A_362 = tpu.memref_squeeze %dma_wait3A_361 : memref<1x80x128xf32, #tpu.memory_space<vmem>> -> memref<80x128xf32, #tpu.memory_space<vmem>>
      %dma_wait3A_363 = arith.constant 0 : i32
      %dma_wait3A_364 = tpu.memref_slice %arg2[%add3A_356, %dma_wait3A_363] : memref<320000x128xf32, #tpu.memory_space<hbm>> -> memref<80x128xf32, #tpu.memory_space<hbm>>
      %dma_wait3A_365 = tpu.memref_slice %arg7[%dma_wait3A_358] : memref<4x!tpu.dma_semaphore, #tpu.memory_space<semaphore_mem>> -> memref<1x!tpu.dma_semaphore, #tpu.memory_space<semaphore_mem>>
      %dma_wait3A_366 = tpu.memref_squeeze %dma_wait3A_365 : memref<1x!tpu.dma_semaphore, #tpu.memory_space<semaphore_mem>> -> memref<!tpu.dma_semaphore, #tpu.memory_space<semaphore_mem>>
      %dma_wait3A_367 = arith.constant 0 : i32
      %dma_wait3A_368 = arith.constant 0 : i32
      %dma_wait3A_369 = tpu.memref_slice %arg9[%dma_wait3A_357, %dma_wait3A_367, %dma_wait3A_368] : memref<4x80x128xf32, #tpu.memory_space<vmem>> -> memref<1x80x128xf32, #tpu.memory_space<vmem>>
      %dma_wait3A_370 = tpu.memref_squeeze %dma_wait3A_369 : memref<1x80x128xf32, #tpu.memory_space<vmem>> -> memref<80x128xf32, #tpu.memory_space<vmem>>
      %dma_wait3A_371 = arith.constant 0 : i32
      %dma_wait3A_372 = tpu.memref_slice %arg2[%add3A_356, %dma_wait3A_371] : memref<320000x128xf32, #tpu.memory_space<hbm>> -> memref<80x128xf32, #tpu.memory_space<hbm>>
      tpu.wait_dma2 semaphore(%dma_wait3A_366 : memref<!tpu.dma_semaphore, #tpu.memory_space<semaphore_mem>>) src(%dma_wait3A_372 : memref<80x128xf32, #tpu.memory_space<hbm>>) dst(%dma_wait3A_370 : memref<80x128xf32, #tpu.memory_space<vmem>>)
      %dma_start3A_373 = arith.constant 3 : i32
      %dma_start3A_374 = arith.constant 3 : i32
      %dma_start3A_375 = arith.constant 0 : i32
      %dma_start3A_376 = arith.constant 0 : i32
      %dma_start3A_377 = tpu.memref_slice %arg9[%dma_start3A_373, %dma_start3A_375, %dma_start3A_376] : memref<4x80x128xf32, #tpu.memory_space<vmem>> -> memref<1x80x128xf32, #tpu.memory_space<vmem>>
      %dma_start3A_378 = tpu.memref_squeeze %dma_start3A_377 : memref<1x80x128xf32, #tpu.memory_space<vmem>> -> memref<80x128xf32, #tpu.memory_space<vmem>>
      %dma_start3A_379 = arith.constant 0 : i32
      %dma_start3A_380 = tpu.memref_slice %arg5[%add3A_353, %dma_start3A_379] : memref<125x80xi32, #tpu.memory_space<vmem>> -> memref<1x80xi32, #tpu.memory_space<vmem>>
      %dma_start3A_381 = tpu.memref_squeeze %dma_start3A_380 : memref<1x80xi32, #tpu.memory_space<vmem>> -> memref<80xi32, #tpu.memory_space<vmem>>
      %dma_start3A_382 = arith.constant 0 : i32
      %dma_start3A_383 = arith.constant 0 : i32
      %dma_start3A_384 = tpu.memref_slice %arg8[%dma_start3A_382, %dma_start3A_383] : memref<10000x128xf32, #tpu.memory_space<vmem_shared>> -> memref<10000x128xf32, #tpu.memory_space<vmem_shared>>
      %dma_start3A_385 = tpu.memref_slice %arg10[%dma_start3A_374] : memref<4x!tpu.dma_semaphore, #tpu.memory_space<semaphore_mem>> -> memref<1x!tpu.dma_semaphore, #tpu.memory_space<semaphore_mem>>
      %dma_start3A_386 = tpu.memref_squeeze %dma_start3A_385 : memref<1x!tpu.dma_semaphore, #tpu.memory_space<semaphore_mem>> -> memref<!tpu.dma_semaphore, #tpu.memory_space<semaphore_mem>>
      tpu.enqueue_indirect_dma source(%dma_start3A_378 : memref<80x128xf32, #tpu.memory_space<vmem>>) target(%dma_start3A_384 : memref<10000x128xf32, #tpu.memory_space<vmem_shared>>) offsets(%dma_start3A_381 : memref<80xi32, #tpu.memory_space<vmem>>) semaphore(%dma_start3A_386 : memref<!tpu.dma_semaphore, #tpu.memory_space<semaphore_mem>>) {add = true}
      %mul3A_387 = arith.constant 4 : i32
      %mul3A_388 = arith.muli %scan3A_237, %mul3A_387 : i32
      %add3A_389 = arith.constant 0 : i32
      %add3A_390 = arith.addi %mul3A_388, %add3A_389 : i32
      %dma_wait3A_391 = arith.constant 0 : i32
      %dma_wait3A_392 = arith.constant 0 : i32
      %dma_wait3A_393 = arith.constant 0 : i32
      %dma_wait3A_394 = arith.constant 0 : i32
      %dma_wait3A_395 = tpu.memref_slice %arg9[%dma_wait3A_391, %dma_wait3A_393, %dma_wait3A_394] : memref<4x80x128xf32, #tpu.memory_space<vmem>> -> memref<1x80x128xf32, #tpu.memory_space<vmem>>
      %dma_wait3A_396 = tpu.memref_squeeze %dma_wait3A_395 : memref<1x80x128xf32, #tpu.memory_space<vmem>> -> memref<80x128xf32, #tpu.memory_space<vmem>>
      %dma_wait3A_397 = arith.constant 0 : i32
      %dma_wait3A_398 = tpu.memref_slice %arg5[%add3A_390, %dma_wait3A_397] : memref<125x80xi32, #tpu.memory_space<vmem>> -> memref<1x80xi32, #tpu.memory_space<vmem>>
      %dma_wait3A_399 = tpu.memref_squeeze %dma_wait3A_398 : memref<1x80xi32, #tpu.memory_space<vmem>> -> memref<80xi32, #tpu.memory_space<vmem>>
      %dma_wait3A_400 = arith.constant 0 : i32
      %dma_wait3A_401 = arith.constant 0 : i32
      %dma_wait3A_402 = tpu.memref_slice %arg8[%dma_wait3A_400, %dma_wait3A_401] : memref<10000x128xf32, #tpu.memory_space<vmem_shared>> -> memref<10000x128xf32, #tpu.memory_space<vmem_shared>>
      %dma_wait3A_403 = tpu.memref_slice %arg10[%dma_wait3A_392] : memref<4x!tpu.dma_semaphore, #tpu.memory_space<semaphore_mem>> -> memref<1x!tpu.dma_semaphore, #tpu.memory_space<semaphore_mem>>
      %dma_wait3A_404 = tpu.memref_squeeze %dma_wait3A_403 : memref<1x!tpu.dma_semaphore, #tpu.memory_space<semaphore_mem>> -> memref<!tpu.dma_semaphore, #tpu.memory_space<semaphore_mem>>
      tpu.wait_indirect_dma semaphore(%dma_wait3A_404 : memref<!tpu.dma_semaphore, #tpu.memory_space<semaphore_mem>>) src(%dma_wait3A_396 : memref<80x128xf32, #tpu.memory_space<vmem>>) dst(%dma_wait3A_402 : memref<10000x128xf32, #tpu.memory_space<vmem_shared>>)
      %add3A_405 = arith.constant 4 : i32
      %add3A_406 = arith.addi %add3A_390, %add3A_405 : i32
      %lt3A = arith.constant 125 : i32
      %lt3A_407 = arith.cmpi slt, %add3A_406, %lt3A : i32
      %convert_element_type3A_408 = arith.extui %lt3A_407 : i1 to i32
      %cond3A_409 = arith.constant 0 : i32
      %cond3A_410 = arith.cmpi ne, %convert_element_type3A_408, %cond3A_409 : i32
      scf.if %cond3A_410 {
        %add3A_487 = arith.constant 4 : i32
        %add3A_488 = arith.addi %add3A_390, %add3A_487 : i32
        %mul3A_489 = arith.constant 80 : i32
        %mul3A_490 = arith.muli %add3A_488, %mul3A_489 : i32
        %add3A_491 = arith.addi %mul3A_2, %mul3A_490 : i32
        %dma_start3A_492 = arith.constant 0 : i32
        %dma_start3A_493 = arith.constant 0 : i32
        %dma_start3A_494 = arith.constant 0 : i32
        %dma_start3A_495 = arith.constant 0 : i32
        %dma_start3A_496 = tpu.memref_slice %arg9[%dma_start3A_492, %dma_start3A_494, %dma_start3A_495] : memref<4x80x128xf32, #tpu.memory_space<vmem>> -> memref<1x80x128xf32, #tpu.memory_space<vmem>>
        %dma_start3A_497 = tpu.memref_squeeze %dma_start3A_496 : memref<1x80x128xf32, #tpu.memory_space<vmem>> -> memref<80x128xf32, #tpu.memory_space<vmem>>
        %dma_start3A_498 = arith.constant 0 : i32
        %dma_start3A_499 = tpu.memref_slice %arg2[%add3A_491, %dma_start3A_498] : memref<320000x128xf32, #tpu.memory_space<hbm>> -> memref<80x128xf32, #tpu.memory_space<hbm>>
        %dma_start3A_500 = tpu.memref_slice %arg7[%dma_start3A_493] : memref<4x!tpu.dma_semaphore, #tpu.memory_space<semaphore_mem>> -> memref<1x!tpu.dma_semaphore, #tpu.memory_space<semaphore_mem>>
        %dma_start3A_501 = tpu.memref_squeeze %dma_start3A_500 : memref<1x!tpu.dma_semaphore, #tpu.memory_space<semaphore_mem>> -> memref<!tpu.dma_semaphore, #tpu.memory_space<semaphore_mem>>
        %dma_start3A_502 = arith.constant 0 : i32
        %dma_start3A_503 = arith.constant 0 : i32
        %dma_start3A_504 = tpu.memref_slice %arg9[%dma_start3A_492, %dma_start3A_502, %dma_start3A_503] : memref<4x80x128xf32, #tpu.memory_space<vmem>> -> memref<1x80x128xf32, #tpu.memory_space<vmem>>
        %dma_start3A_505 = tpu.memref_squeeze %dma_start3A_504 : memref<1x80x128xf32, #tpu.memory_space<vmem>> -> memref<80x128xf32, #tpu.memory_space<vmem>>
        %dma_start3A_506 = arith.constant 0 : i32
        %dma_start3A_507 = tpu.memref_slice %arg2[%add3A_491, %dma_start3A_506] : memref<320000x128xf32, #tpu.memory_space<hbm>> -> memref<80x128xf32, #tpu.memory_space<hbm>>
        tpu.enqueue_dma source(%dma_start3A_507 : memref<80x128xf32, #tpu.memory_space<hbm>>) target(%dma_start3A_505 : memref<80x128xf32, #tpu.memory_space<vmem>>) target_semaphore(%dma_start3A_501 : memref<!tpu.dma_semaphore, #tpu.memory_space<semaphore_mem>>)
      } else {
      }
      %mul3A_411 = arith.constant 4 : i32
      %mul3A_412 = arith.muli %scan3A_237, %mul3A_411 : i32
      %add3A_413 = arith.constant 1 : i32
      %add3A_414 = arith.addi %mul3A_412, %add3A_413 : i32
      %dma_wait3A_415 = arith.constant 1 : i32
      %dma_wait3A_416 = arith.constant 1 : i32
      %dma_wait3A_417 = arith.constant 0 : i32
      %dma_wait3A_418 = arith.constant 0 : i32
      %dma_wait3A_419 = tpu.memref_slice %arg9[%dma_wait3A_415, %dma_wait3A_417, %dma_wait3A_418] : memref<4x80x128xf32, #tpu.memory_space<vmem>> -> memref<1x80x128xf32, #tpu.memory_space<vmem>>
      %dma_wait3A_420 = tpu.memref_squeeze %dma_wait3A_419 : memref<1x80x128xf32, #tpu.memory_space<vmem>> -> memref<80x128xf32, #tpu.memory_space<vmem>>
      %dma_wait3A_421 = arith.constant 0 : i32
      %dma_wait3A_422 = tpu.memref_slice %arg5[%add3A_414, %dma_wait3A_421] : memref<125x80xi32, #tpu.memory_space<vmem>> -> memref<1x80xi32, #tpu.memory_space<vmem>>
      %dma_wait3A_423 = tpu.memref_squeeze %dma_wait3A_422 : memref<1x80xi32, #tpu.memory_space<vmem>> -> memref<80xi32, #tpu.memory_space<vmem>>
      %dma_wait3A_424 = arith.constant 0 : i32
      %dma_wait3A_425 = arith.constant 0 : i32
      %dma_wait3A_426 = tpu.memref_slice %arg8[%dma_wait3A_424, %dma_wait3A_425] : memref<10000x128xf32, #tpu.memory_space<vmem_shared>> -> memref<10000x128xf32, #tpu.memory_space<vmem_shared>>
      %dma_wait3A_427 = tpu.memref_slice %arg10[%dma_wait3A_416] : memref<4x!tpu.dma_semaphore, #tpu.memory_space<semaphore_mem>> -> memref<1x!tpu.dma_semaphore, #tpu.memory_space<semaphore_mem>>
      %dma_wait3A_428 = tpu.memref_squeeze %dma_wait3A_427 : memref<1x!tpu.dma_semaphore, #tpu.memory_space<semaphore_mem>> -> memref<!tpu.dma_semaphore, #tpu.memory_space<semaphore_mem>>
      tpu.wait_indirect_dma semaphore(%dma_wait3A_428 : memref<!tpu.dma_semaphore, #tpu.memory_space<semaphore_mem>>) src(%dma_wait3A_420 : memref<80x128xf32, #tpu.memory_space<vmem>>) dst(%dma_wait3A_426 : memref<10000x128xf32, #tpu.memory_space<vmem_shared>>)
      %add3A_429 = arith.constant 4 : i32
      %add3A_430 = arith.addi %add3A_414, %add3A_429 : i32
      %lt3A_431 = arith.constant 125 : i32
      %lt3A_432 = arith.cmpi slt, %add3A_430, %lt3A_431 : i32
      %convert_element_type3A_433 = arith.extui %lt3A_432 : i1 to i32
      %cond3A_434 = arith.constant 0 : i32
      %cond3A_435 = arith.cmpi ne, %convert_element_type3A_433, %cond3A_434 : i32
      scf.if %cond3A_435 {
        %add3A_487 = arith.constant 4 : i32
        %add3A_488 = arith.addi %add3A_414, %add3A_487 : i32
        %mul3A_489 = arith.constant 80 : i32
        %mul3A_490 = arith.muli %add3A_488, %mul3A_489 : i32
        %add3A_491 = arith.addi %mul3A_2, %mul3A_490 : i32
        %dma_start3A_492 = arith.constant 1 : i32
        %dma_start3A_493 = arith.constant 1 : i32
        %dma_start3A_494 = arith.constant 0 : i32
        %dma_start3A_495 = arith.constant 0 : i32
        %dma_start3A_496 = tpu.memref_slice %arg9[%dma_start3A_492, %dma_start3A_494, %dma_start3A_495] : memref<4x80x128xf32, #tpu.memory_space<vmem>> -> memref<1x80x128xf32, #tpu.memory_space<vmem>>
        %dma_start3A_497 = tpu.memref_squeeze %dma_start3A_496 : memref<1x80x128xf32, #tpu.memory_space<vmem>> -> memref<80x128xf32, #tpu.memory_space<vmem>>
        %dma_start3A_498 = arith.constant 0 : i32
        %dma_start3A_499 = tpu.memref_slice %arg2[%add3A_491, %dma_start3A_498] : memref<320000x128xf32, #tpu.memory_space<hbm>> -> memref<80x128xf32, #tpu.memory_space<hbm>>
        %dma_start3A_500 = tpu.memref_slice %arg7[%dma_start3A_493] : memref<4x!tpu.dma_semaphore, #tpu.memory_space<semaphore_mem>> -> memref<1x!tpu.dma_semaphore, #tpu.memory_space<semaphore_mem>>
        %dma_start3A_501 = tpu.memref_squeeze %dma_start3A_500 : memref<1x!tpu.dma_semaphore, #tpu.memory_space<semaphore_mem>> -> memref<!tpu.dma_semaphore, #tpu.memory_space<semaphore_mem>>
        %dma_start3A_502 = arith.constant 0 : i32
        %dma_start3A_503 = arith.constant 0 : i32
        %dma_start3A_504 = tpu.memref_slice %arg9[%dma_start3A_492, %dma_start3A_502, %dma_start3A_503] : memref<4x80x128xf32, #tpu.memory_space<vmem>> -> memref<1x80x128xf32, #tpu.memory_space<vmem>>
        %dma_start3A_505 = tpu.memref_squeeze %dma_start3A_504 : memref<1x80x128xf32, #tpu.memory_space<vmem>> -> memref<80x128xf32, #tpu.memory_space<vmem>>
        %dma_start3A_506 = arith.constant 0 : i32
        %dma_start3A_507 = tpu.memref_slice %arg2[%add3A_491, %dma_start3A_506] : memref<320000x128xf32, #tpu.memory_space<hbm>> -> memref<80x128xf32, #tpu.memory_space<hbm>>
        tpu.enqueue_dma source(%dma_start3A_507 : memref<80x128xf32, #tpu.memory_space<hbm>>) target(%dma_start3A_505 : memref<80x128xf32, #tpu.memory_space<vmem>>) target_semaphore(%dma_start3A_501 : memref<!tpu.dma_semaphore, #tpu.memory_space<semaphore_mem>>)
      } else {
      }
      %mul3A_436 = arith.constant 4 : i32
      %mul3A_437 = arith.muli %scan3A_237, %mul3A_436 : i32
      %add3A_438 = arith.constant 2 : i32
      %add3A_439 = arith.addi %mul3A_437, %add3A_438 : i32
      %dma_wait3A_440 = arith.constant 2 : i32
      %dma_wait3A_441 = arith.constant 2 : i32
      %dma_wait3A_442 = arith.constant 0 : i32
      %dma_wait3A_443 = arith.constant 0 : i32
      %dma_wait3A_444 = tpu.memref_slice %arg9[%dma_wait3A_440, %dma_wait3A_442, %dma_wait3A_443] : memref<4x80x128xf32, #tpu.memory_space<vmem>> -> memref<1x80x128xf32, #tpu.memory_space<vmem>>
      %dma_wait3A_445 = tpu.memref_squeeze %dma_wait3A_444 : memref<1x80x128xf32, #tpu.memory_space<vmem>> -> memref<80x128xf32, #tpu.memory_space<vmem>>
      %dma_wait3A_446 = arith.constant 0 : i32
      %dma_wait3A_447 = tpu.memref_slice %arg5[%add3A_439, %dma_wait3A_446] : memref<125x80xi32, #tpu.memory_space<vmem>> -> memref<1x80xi32, #tpu.memory_space<vmem>>
      %dma_wait3A_448 = tpu.memref_squeeze %dma_wait3A_447 : memref<1x80xi32, #tpu.memory_space<vmem>> -> memref<80xi32, #tpu.memory_space<vmem>>
      %dma_wait3A_449 = arith.constant 0 : i32
      %dma_wait3A_450 = arith.constant 0 : i32
      %dma_wait3A_451 = tpu.memref_slice %arg8[%dma_wait3A_449, %dma_wait3A_450] : memref<10000x128xf32, #tpu.memory_space<vmem_shared>> -> memref<10000x128xf32, #tpu.memory_space<vmem_shared>>
      %dma_wait3A_452 = tpu.memref_slice %arg10[%dma_wait3A_441] : memref<4x!tpu.dma_semaphore, #tpu.memory_space<semaphore_mem>> -> memref<1x!tpu.dma_semaphore, #tpu.memory_space<semaphore_mem>>
      %dma_wait3A_453 = tpu.memref_squeeze %dma_wait3A_452 : memref<1x!tpu.dma_semaphore, #tpu.memory_space<semaphore_mem>> -> memref<!tpu.dma_semaphore, #tpu.memory_space<semaphore_mem>>
      tpu.wait_indirect_dma semaphore(%dma_wait3A_453 : memref<!tpu.dma_semaphore, #tpu.memory_space<semaphore_mem>>) src(%dma_wait3A_445 : memref<80x128xf32, #tpu.memory_space<vmem>>) dst(%dma_wait3A_451 : memref<10000x128xf32, #tpu.memory_space<vmem_shared>>)
      %add3A_454 = arith.constant 4 : i32
      %add3A_455 = arith.addi %add3A_439, %add3A_454 : i32
      %lt3A_456 = arith.constant 125 : i32
      %lt3A_457 = arith.cmpi slt, %add3A_455, %lt3A_456 : i32
      %convert_element_type3A_458 = arith.extui %lt3A_457 : i1 to i32
      %cond3A_459 = arith.constant 0 : i32
      %cond3A_460 = arith.cmpi ne, %convert_element_type3A_458, %cond3A_459 : i32
      scf.if %cond3A_460 {
        %add3A_487 = arith.constant 4 : i32
        %add3A_488 = arith.addi %add3A_439, %add3A_487 : i32
        %mul3A_489 = arith.constant 80 : i32
        %mul3A_490 = arith.muli %add3A_488, %mul3A_489 : i32
        %add3A_491 = arith.addi %mul3A_2, %mul3A_490 : i32
        %dma_start3A_492 = arith.constant 2 : i32
        %dma_start3A_493 = arith.constant 2 : i32
        %dma_start3A_494 = arith.constant 0 : i32
        %dma_start3A_495 = arith.constant 0 : i32
        %dma_start3A_496 = tpu.memref_slice %arg9[%dma_start3A_492, %dma_start3A_494, %dma_start3A_495] : memref<4x80x128xf32, #tpu.memory_space<vmem>> -> memref<1x80x128xf32, #tpu.memory_space<vmem>>
        %dma_start3A_497 = tpu.memref_squeeze %dma_start3A_496 : memref<1x80x128xf32, #tpu.memory_space<vmem>> -> memref<80x128xf32, #tpu.memory_space<vmem>>
        %dma_start3A_498 = arith.constant 0 : i32
        %dma_start3A_499 = tpu.memref_slice %arg2[%add3A_491, %dma_start3A_498] : memref<320000x128xf32, #tpu.memory_space<hbm>> -> memref<80x128xf32, #tpu.memory_space<hbm>>
        %dma_start3A_500 = tpu.memref_slice %arg7[%dma_start3A_493] : memref<4x!tpu.dma_semaphore, #tpu.memory_space<semaphore_mem>> -> memref<1x!tpu.dma_semaphore, #tpu.memory_space<semaphore_mem>>
        %dma_start3A_501 = tpu.memref_squeeze %dma_start3A_500 : memref<1x!tpu.dma_semaphore, #tpu.memory_space<semaphore_mem>> -> memref<!tpu.dma_semaphore, #tpu.memory_space<semaphore_mem>>
        %dma_start3A_502 = arith.constant 0 : i32
        %dma_start3A_503 = arith.constant 0 : i32
        %dma_start3A_504 = tpu.memref_slice %arg9[%dma_start3A_492, %dma_start3A_502, %dma_start3A_503] : memref<4x80x128xf32, #tpu.memory_space<vmem>> -> memref<1x80x128xf32, #tpu.memory_space<vmem>>
        %dma_start3A_505 = tpu.memref_squeeze %dma_start3A_504 : memref<1x80x128xf32, #tpu.memory_space<vmem>> -> memref<80x128xf32, #tpu.memory_space<vmem>>
        %dma_start3A_506 = arith.constant 0 : i32
        %dma_start3A_507 = tpu.memref_slice %arg2[%add3A_491, %dma_start3A_506] : memref<320000x128xf32, #tpu.memory_space<hbm>> -> memref<80x128xf32, #tpu.memory_space<hbm>>
        tpu.enqueue_dma source(%dma_start3A_507 : memref<80x128xf32, #tpu.memory_space<hbm>>) target(%dma_start3A_505 : memref<80x128xf32, #tpu.memory_space<vmem>>) target_semaphore(%dma_start3A_501 : memref<!tpu.dma_semaphore, #tpu.memory_space<semaphore_mem>>)
      } else {
      }
      %mul3A_461 = arith.constant 4 : i32
      %mul3A_462 = arith.muli %scan3A_237, %mul3A_461 : i32
      %add3A_463 = arith.constant 3 : i32
      %add3A_464 = arith.addi %mul3A_462, %add3A_463 : i32
      %dma_wait3A_465 = arith.constant 3 : i32
      %dma_wait3A_466 = arith.constant 3 : i32
      %dma_wait3A_467 = arith.constant 0 : i32
      %dma_wait3A_468 = arith.constant 0 : i32
      %dma_wait3A_469 = tpu.memref_slice %arg9[%dma_wait3A_465, %dma_wait3A_467, %dma_wait3A_468] : memref<4x80x128xf32, #tpu.memory_space<vmem>> -> memref<1x80x128xf32, #tpu.memory_space<vmem>>
      %dma_wait3A_470 = tpu.memref_squeeze %dma_wait3A_469 : memref<1x80x128xf32, #tpu.memory_space<vmem>> -> memref<80x128xf32, #tpu.memory_space<vmem>>
      %dma_wait3A_471 = arith.constant 0 : i32
      %dma_wait3A_472 = tpu.memref_slice %arg5[%add3A_464, %dma_wait3A_471] : memref<125x80xi32, #tpu.memory_space<vmem>> -> memref<1x80xi32, #tpu.memory_space<vmem>>
      %dma_wait3A_473 = tpu.memref_squeeze %dma_wait3A_472 : memref<1x80xi32, #tpu.memory_space<vmem>> -> memref<80xi32, #tpu.memory_space<vmem>>
      %dma_wait3A_474 = arith.constant 0 : i32
      %dma_wait3A_475 = arith.constant 0 : i32
      %dma_wait3A_476 = tpu.memref_slice %arg8[%dma_wait3A_474, %dma_wait3A_475] : memref<10000x128xf32, #tpu.memory_space<vmem_shared>> -> memref<10000x128xf32, #tpu.memory_space<vmem_shared>>
      %dma_wait3A_477 = tpu.memref_slice %arg10[%dma_wait3A_466] : memref<4x!tpu.dma_semaphore, #tpu.memory_space<semaphore_mem>> -> memref<1x!tpu.dma_semaphore, #tpu.memory_space<semaphore_mem>>
      %dma_wait3A_478 = tpu.memref_squeeze %dma_wait3A_477 : memref<1x!tpu.dma_semaphore, #tpu.memory_space<semaphore_mem>> -> memref<!tpu.dma_semaphore, #tpu.memory_space<semaphore_mem>>
      tpu.wait_indirect_dma semaphore(%dma_wait3A_478 : memref<!tpu.dma_semaphore, #tpu.memory_space<semaphore_mem>>) src(%dma_wait3A_470 : memref<80x128xf32, #tpu.memory_space<vmem>>) dst(%dma_wait3A_476 : memref<10000x128xf32, #tpu.memory_space<vmem_shared>>)
      %add3A_479 = arith.constant 4 : i32
      %add3A_480 = arith.addi %add3A_464, %add3A_479 : i32
      %lt3A_481 = arith.constant 125 : i32
      %lt3A_482 = arith.cmpi slt, %add3A_480, %lt3A_481 : i32
      %convert_element_type3A_483 = arith.extui %lt3A_482 : i1 to i32
      %cond3A_484 = arith.constant 0 : i32
      %cond3A_485 = arith.cmpi ne, %convert_element_type3A_483, %cond3A_484 : i32
      scf.if %cond3A_485 {
        %add3A_487 = arith.constant 4 : i32
        %add3A_488 = arith.addi %add3A_464, %add3A_487 : i32
        %mul3A_489 = arith.constant 80 : i32
        %mul3A_490 = arith.muli %add3A_488, %mul3A_489 : i32
        %add3A_491 = arith.addi %mul3A_2, %mul3A_490 : i32
        %dma_start3A_492 = arith.constant 3 : i32
        %dma_start3A_493 = arith.constant 3 : i32
        %dma_start3A_494 = arith.constant 0 : i32
        %dma_start3A_495 = arith.constant 0 : i32
        %dma_start3A_496 = tpu.memref_slice %arg9[%dma_start3A_492, %dma_start3A_494, %dma_start3A_495] : memref<4x80x128xf32, #tpu.memory_space<vmem>> -> memref<1x80x128xf32, #tpu.memory_space<vmem>>
        %dma_start3A_497 = tpu.memref_squeeze %dma_start3A_496 : memref<1x80x128xf32, #tpu.memory_space<vmem>> -> memref<80x128xf32, #tpu.memory_space<vmem>>
        %dma_start3A_498 = arith.constant 0 : i32
        %dma_start3A_499 = tpu.memref_slice %arg2[%add3A_491, %dma_start3A_498] : memref<320000x128xf32, #tpu.memory_space<hbm>> -> memref<80x128xf32, #tpu.memory_space<hbm>>
        %dma_start3A_500 = tpu.memref_slice %arg7[%dma_start3A_493] : memref<4x!tpu.dma_semaphore, #tpu.memory_space<semaphore_mem>> -> memref<1x!tpu.dma_semaphore, #tpu.memory_space<semaphore_mem>>
        %dma_start3A_501 = tpu.memref_squeeze %dma_start3A_500 : memref<1x!tpu.dma_semaphore, #tpu.memory_space<semaphore_mem>> -> memref<!tpu.dma_semaphore, #tpu.memory_space<semaphore_mem>>
        %dma_start3A_502 = arith.constant 0 : i32
        %dma_start3A_503 = arith.constant 0 : i32
        %dma_start3A_504 = tpu.memref_slice %arg9[%dma_start3A_492, %dma_start3A_502, %dma_start3A_503] : memref<4x80x128xf32, #tpu.memory_space<vmem>> -> memref<1x80x128xf32, #tpu.memory_space<vmem>>
        %dma_start3A_505 = tpu.memref_squeeze %dma_start3A_504 : memref<1x80x128xf32, #tpu.memory_space<vmem>> -> memref<80x128xf32, #tpu.memory_space<vmem>>
        %dma_start3A_506 = arith.constant 0 : i32
        %dma_start3A_507 = tpu.memref_slice %arg2[%add3A_491, %dma_start3A_506] : memref<320000x128xf32, #tpu.memory_space<hbm>> -> memref<80x128xf32, #tpu.memory_space<hbm>>
        tpu.enqueue_dma source(%dma_start3A_507 : memref<80x128xf32, #tpu.memory_space<hbm>>) target(%dma_start3A_505 : memref<80x128xf32, #tpu.memory_space<vmem>>) target_semaphore(%dma_start3A_501 : memref<!tpu.dma_semaphore, #tpu.memory_space<semaphore_mem>>)
      } else {
      }
      %scan3A_486 = arith.constant 0 : i32
      scf.yield %scan3A_486 : i32
    }
    %scan3A_173 = arith.constant 31 : i32
    %add3A_174 = arith.constant 9920 : i32
    %add3A_175 = arith.addi %mul3A_2, %add3A_174 : i32
    %dma_wait3A_176 = arith.constant 0 : i32
    %dma_wait3A_177 = arith.constant 0 : i32
    %dma_wait3A_178 = arith.constant 0 : i32
    %dma_wait3A_179 = arith.constant 0 : i32
    %dma_wait3A_180 = tpu.memref_slice %arg9[%dma_wait3A_176, %dma_wait3A_178, %dma_wait3A_179] : memref<4x80x128xf32, #tpu.memory_space<vmem>> -> memref<1x80x128xf32, #tpu.memory_space<vmem>>
    %dma_wait3A_181 = tpu.memref_squeeze %dma_wait3A_180 : memref<1x80x128xf32, #tpu.memory_space<vmem>> -> memref<80x128xf32, #tpu.memory_space<vmem>>
    %dma_wait3A_182 = arith.constant 0 : i32
    %dma_wait3A_183 = tpu.memref_slice %arg2[%add3A_175, %dma_wait3A_182] : memref<320000x128xf32, #tpu.memory_space<hbm>> -> memref<80x128xf32, #tpu.memory_space<hbm>>
    %dma_wait3A_184 = tpu.memref_slice %arg7[%dma_wait3A_177] : memref<4x!tpu.dma_semaphore, #tpu.memory_space<semaphore_mem>> -> memref<1x!tpu.dma_semaphore, #tpu.memory_space<semaphore_mem>>
    %dma_wait3A_185 = tpu.memref_squeeze %dma_wait3A_184 : memref<1x!tpu.dma_semaphore, #tpu.memory_space<semaphore_mem>> -> memref<!tpu.dma_semaphore, #tpu.memory_space<semaphore_mem>>
    %dma_wait3A_186 = arith.constant 0 : i32
    %dma_wait3A_187 = arith.constant 0 : i32
    %dma_wait3A_188 = tpu.memref_slice %arg9[%dma_wait3A_176, %dma_wait3A_186, %dma_wait3A_187] : memref<4x80x128xf32, #tpu.memory_space<vmem>> -> memref<1x80x128xf32, #tpu.memory_space<vmem>>
    %dma_wait3A_189 = tpu.memref_squeeze %dma_wait3A_188 : memref<1x80x128xf32, #tpu.memory_space<vmem>> -> memref<80x128xf32, #tpu.memory_space<vmem>>
    %dma_wait3A_190 = arith.constant 0 : i32
    %dma_wait3A_191 = tpu.memref_slice %arg2[%add3A_175, %dma_wait3A_190] : memref<320000x128xf32, #tpu.memory_space<hbm>> -> memref<80x128xf32, #tpu.memory_space<hbm>>
    tpu.wait_dma2 semaphore(%dma_wait3A_185 : memref<!tpu.dma_semaphore, #tpu.memory_space<semaphore_mem>>) src(%dma_wait3A_191 : memref<80x128xf32, #tpu.memory_space<hbm>>) dst(%dma_wait3A_189 : memref<80x128xf32, #tpu.memory_space<vmem>>)
    %dma_start3A_192 = arith.constant 0 : i32
    %dma_start3A_193 = arith.constant 124 : i32
    %dma_start3A_194 = arith.constant 0 : i32
    %dma_start3A_195 = arith.constant 0 : i32
    %dma_start3A_196 = arith.constant 0 : i32
    %dma_start3A_197 = tpu.memref_slice %arg9[%dma_start3A_192, %dma_start3A_195, %dma_start3A_196] : memref<4x80x128xf32, #tpu.memory_space<vmem>> -> memref<1x80x128xf32, #tpu.memory_space<vmem>>
    %dma_start3A_198 = tpu.memref_squeeze %dma_start3A_197 : memref<1x80x128xf32, #tpu.memory_space<vmem>> -> memref<80x128xf32, #tpu.memory_space<vmem>>
    %dma_start3A_199 = arith.constant 0 : i32
    %dma_start3A_200 = tpu.memref_slice %arg5[%dma_start3A_193, %dma_start3A_199] : memref<125x80xi32, #tpu.memory_space<vmem>> -> memref<1x80xi32, #tpu.memory_space<vmem>>
    %dma_start3A_201 = tpu.memref_squeeze %dma_start3A_200 : memref<1x80xi32, #tpu.memory_space<vmem>> -> memref<80xi32, #tpu.memory_space<vmem>>
    %dma_start3A_202 = arith.constant 0 : i32
    %dma_start3A_203 = arith.constant 0 : i32
    %dma_start3A_204 = tpu.memref_slice %arg8[%dma_start3A_202, %dma_start3A_203] : memref<10000x128xf32, #tpu.memory_space<vmem_shared>> -> memref<10000x128xf32, #tpu.memory_space<vmem_shared>>
    %dma_start3A_205 = tpu.memref_slice %arg10[%dma_start3A_194] : memref<4x!tpu.dma_semaphore, #tpu.memory_space<semaphore_mem>> -> memref<1x!tpu.dma_semaphore, #tpu.memory_space<semaphore_mem>>
    %dma_start3A_206 = tpu.memref_squeeze %dma_start3A_205 : memref<1x!tpu.dma_semaphore, #tpu.memory_space<semaphore_mem>> -> memref<!tpu.dma_semaphore, #tpu.memory_space<semaphore_mem>>
    tpu.enqueue_indirect_dma source(%dma_start3A_198 : memref<80x128xf32, #tpu.memory_space<vmem>>) target(%dma_start3A_204 : memref<10000x128xf32, #tpu.memory_space<vmem_shared>>) offsets(%dma_start3A_201 : memref<80xi32, #tpu.memory_space<vmem>>) semaphore(%dma_start3A_206 : memref<!tpu.dma_semaphore, #tpu.memory_space<semaphore_mem>>) {add = true}
    %dma_wait3A_207 = arith.constant 0 : i32
    %dma_wait3A_208 = arith.constant 124 : i32
    %dma_wait3A_209 = arith.constant 0 : i32
    %dma_wait3A_210 = arith.constant 0 : i32
    %dma_wait3A_211 = arith.constant 0 : i32
    %dma_wait3A_212 = tpu.memref_slice %arg9[%dma_wait3A_207, %dma_wait3A_210, %dma_wait3A_211] : memref<4x80x128xf32, #tpu.memory_space<vmem>> -> memref<1x80x128xf32, #tpu.memory_space<vmem>>
    %dma_wait3A_213 = tpu.memref_squeeze %dma_wait3A_212 : memref<1x80x128xf32, #tpu.memory_space<vmem>> -> memref<80x128xf32, #tpu.memory_space<vmem>>
    %dma_wait3A_214 = arith.constant 0 : i32
    %dma_wait3A_215 = tpu.memref_slice %arg5[%dma_wait3A_208, %dma_wait3A_214] : memref<125x80xi32, #tpu.memory_space<vmem>> -> memref<1x80xi32, #tpu.memory_space<vmem>>
    %dma_wait3A_216 = tpu.memref_squeeze %dma_wait3A_215 : memref<1x80xi32, #tpu.memory_space<vmem>> -> memref<80xi32, #tpu.memory_space<vmem>>
    %dma_wait3A_217 = arith.constant 0 : i32
    %dma_wait3A_218 = arith.constant 0 : i32
    %dma_wait3A_219 = tpu.memref_slice %arg8[%dma_wait3A_217, %dma_wait3A_218] : memref<10000x128xf32, #tpu.memory_space<vmem_shared>> -> memref<10000x128xf32, #tpu.memory_space<vmem_shared>>
    %dma_wait3A_220 = tpu.memref_slice %arg10[%dma_wait3A_209] : memref<4x!tpu.dma_semaphore, #tpu.memory_space<semaphore_mem>> -> memref<1x!tpu.dma_semaphore, #tpu.memory_space<semaphore_mem>>
    %dma_wait3A_221 = tpu.memref_squeeze %dma_wait3A_220 : memref<1x!tpu.dma_semaphore, #tpu.memory_space<semaphore_mem>> -> memref<!tpu.dma_semaphore, #tpu.memory_space<semaphore_mem>>
    tpu.wait_indirect_dma semaphore(%dma_wait3A_221 : memref<!tpu.dma_semaphore, #tpu.memory_space<semaphore_mem>>) src(%dma_wait3A_213 : memref<80x128xf32, #tpu.memory_space<vmem>>) dst(%dma_wait3A_219 : memref<10000x128xf32, #tpu.memory_space<vmem_shared>>)
    %barrier3A_222 = arith.constant 0 : index
    tpu.barrier barrier_id(%barrier3A_222)
    %scan3A_223 = arith.constant 0 : i32
    %scan3A_224 = arith.constant 0 : i32
    %scan3A_225 = arith.constant 4 : i32
    %scan3A_226 = arith.addi %scan3A_224, %scan3A_225 : i32
    %scan3A_227 = arith.constant 1 : i32
    %scan3A_228 = scf.for %scan3A_237 = %scan3A_224 to %scan3A_226 step %scan3A_227 iter_args(%scan3A_238 = %scan3A_223) -> (i32)  : i32 {
      %mul3A_239 = arith.constant 2 : i32
      %mul3A_240 = arith.muli %mul3A_239, %scan3A_237 : i32
      %add3A_241 = arith.constant 0 : i32
      %add3A_242 = arith.addi %mul3A_240, %add3A_241 : i32
      %mul3A_243 = arith.constant 80 : i32
      %mul3A_244 = arith.muli %add3A_242, %mul3A_243 : i32
      %lt3A = arith.cmpi slt, %mul3A_244, %select_n3A : i32
      %convert_element_type3A_245 = arith.extui %lt3A : i1 to i32
      %cond3A_246 = arith.constant 0 : i32
      %cond3A_247 = arith.cmpi ne, %convert_element_type3A_245, %cond3A_246 : i32
      scf.if %cond3A_247 {
        %ge3A = arith.constant 1 : i32
        %ge3A_259 = arith.cmpi sge, %scan3A_237, %ge3A : i32
        %convert_element_type3A_260 = arith.extui %ge3A_259 : i1 to i32
        %cond3A_261 = arith.constant 0 : i32
        %cond3A_262 = arith.cmpi ne, %convert_element_type3A_260, %cond3A_261 : i32
        scf.if %cond3A_262 {
          %sub3A = arith.constant 2 : i32
          %sub3A_329 = arith.subi %add3A_242, %sub3A : i32
          %mul3A_330 = arith.constant 640 : i32
          %mul3A_331 = arith.muli %arg1, %mul3A_330 : i32
          %mul3A_332 = arith.constant 80 : i32
          %mul3A_333 = arith.muli %sub3A_329, %mul3A_332 : i32
          %add3A_334 = arith.addi %mul3A_331, %mul3A_333 : i32
          %mul3A_335 = arith.constant 10000 : i32
          %mul3A_336 = arith.muli %arg0, %mul3A_335 : i32
          %add3A_337 = arith.addi %mul3A_336, %add3A_334 : i32
          %dma_wait3A_338 = arith.constant 0 : i32
          %dma_wait3A_339 = arith.constant 0 : i32
          %dma_wait3A_340 = arith.constant 0 : i32
          %dma_wait3A_341 = arith.constant 0 : i32
          %dma_wait3A_342 = tpu.memref_slice %arg9[%dma_wait3A_338, %dma_wait3A_340, %dma_wait3A_341] : memref<4x80x128xf32, #tpu.memory_space<vmem>> -> memref<1x80x128xf32, #tpu.memory_space<vmem>>
          %dma_wait3A_343 = tpu.memref_squeeze %dma_wait3A_342 : memref<1x80x128xf32, #tpu.memory_space<vmem>> -> memref<80x128xf32, #tpu.memory_space<vmem>>
          %dma_wait3A_344 = arith.constant 0 : i32
          %dma_wait3A_345 = tpu.memref_slice %arg4[%add3A_337, %dma_wait3A_344] : memref<20000x128xf32, #tpu.memory_space<hbm>> -> memref<80x128xf32, #tpu.memory_space<hbm>>
          %dma_wait3A_346 = tpu.memref_slice %arg10[%dma_wait3A_339] : memref<4x!tpu.dma_semaphore, #tpu.memory_space<semaphore_mem>> -> memref<1x!tpu.dma_semaphore, #tpu.memory_space<semaphore_mem>>
          %dma_wait3A_347 = tpu.memref_squeeze %dma_wait3A_346 : memref<1x!tpu.dma_semaphore, #tpu.memory_space<semaphore_mem>> -> memref<!tpu.dma_semaphore, #tpu.memory_space<semaphore_mem>>
          %dma_wait3A_348 = arith.constant 0 : i32
          %dma_wait3A_349 = tpu.memref_slice %arg4[%add3A_337, %dma_wait3A_348] : memref<20000x128xf32, #tpu.memory_space<hbm>> -> memref<80x128xf32, #tpu.memory_space<hbm>>
          %dma_wait3A_350 = arith.constant 0 : i32
          %dma_wait3A_351 = arith.constant 0 : i32
          %dma_wait3A_352 = tpu.memref_slice %arg9[%dma_wait3A_338, %dma_wait3A_350, %dma_wait3A_351] : memref<4x80x128xf32, #tpu.memory_space<vmem>> -> memref<1x80x128xf32, #tpu.memory_space<vmem>>
          %dma_wait3A_353 = tpu.memref_squeeze %dma_wait3A_352 : memref<1x80x128xf32, #tpu.memory_space<vmem>> -> memref<80x128xf32, #tpu.memory_space<vmem>>
          tpu.wait_dma2 semaphore(%dma_wait3A_347 : memref<!tpu.dma_semaphore, #tpu.memory_space<semaphore_mem>>) src(%dma_wait3A_353 : memref<80x128xf32, #tpu.memory_space<vmem>>) dst(%dma_wait3A_349 : memref<80x128xf32, #tpu.memory_space<hbm>>)
        } else {
        }
        %mul3A_263 = arith.constant 640 : i32
        %mul3A_264 = arith.muli %arg1, %mul3A_263 : i32
        %mul3A_265 = arith.constant 80 : i32
        %mul3A_266 = arith.muli %add3A_242, %mul3A_265 : i32
        %add3A_267 = arith.addi %mul3A_264, %mul3A_266 : i32
        %dma_start3A_268 = arith.constant 0 : i32
        %dma_start3A_269 = arith.constant 0 : i32
        %dma_start3A_270 = arith.constant 0 : i32
        %dma_start3A_271 = arith.constant 0 : i32
        %dma_start3A_272 = tpu.memref_slice %arg9[%dma_start3A_268, %dma_start3A_270, %dma_start3A_271] : memref<4x80x128xf32, #tpu.memory_space<vmem>> -> memref<1x80x128xf32, #tpu.memory_space<vmem>>
        %dma_start3A_273 = tpu.memref_squeeze %dma_start3A_272 : memref<1x80x128xf32, #tpu.memory_space<vmem>> -> memref<80x128xf32, #tpu.memory_space<vmem>>
        %dma_start3A_274 = arith.constant 0 : i32
        %dma_start3A_275 = tpu.memref_slice %arg8[%add3A_267, %dma_start3A_274] : memref<10000x128xf32, #tpu.memory_space<vmem_shared>> -> memref<80x128xf32, #tpu.memory_space<vmem_shared>>
        %dma_start3A_276 = tpu.memref_slice %arg7[%dma_start3A_269] : memref<4x!tpu.dma_semaphore, #tpu.memory_space<semaphore_mem>> -> memref<1x!tpu.dma_semaphore, #tpu.memory_space<semaphore_mem>>
        %dma_start3A_277 = tpu.memref_squeeze %dma_start3A_276 : memref<1x!tpu.dma_semaphore, #tpu.memory_space<semaphore_mem>> -> memref<!tpu.dma_semaphore, #tpu.memory_space<semaphore_mem>>
        %dma_start3A_278 = arith.constant 0 : i32
        %dma_start3A_279 = arith.constant 0 : i32
        %dma_start3A_280 = tpu.memref_slice %arg9[%dma_start3A_268, %dma_start3A_278, %dma_start3A_279] : memref<4x80x128xf32, #tpu.memory_space<vmem>> -> memref<1x80x128xf32, #tpu.memory_space<vmem>>
        %dma_start3A_281 = tpu.memref_squeeze %dma_start3A_280 : memref<1x80x128xf32, #tpu.memory_space<vmem>> -> memref<80x128xf32, #tpu.memory_space<vmem>>
        %dma_start3A_282 = arith.constant 0 : i32
        %dma_start3A_283 = tpu.memref_slice %arg8[%add3A_267, %dma_start3A_282] : memref<10000x128xf32, #tpu.memory_space<vmem_shared>> -> memref<80x128xf32, #tpu.memory_space<vmem_shared>>
        tpu.enqueue_dma source(%dma_start3A_283 : memref<80x128xf32, #tpu.memory_space<vmem_shared>>) target(%dma_start3A_281 : memref<80x128xf32, #tpu.memory_space<vmem>>) target_semaphore(%dma_start3A_277 : memref<!tpu.dma_semaphore, #tpu.memory_space<semaphore_mem>>)
        %mul3A_284 = arith.constant 640 : i32
        %mul3A_285 = arith.muli %arg1, %mul3A_284 : i32
        %mul3A_286 = arith.constant 80 : i32
        %mul3A_287 = arith.muli %add3A_242, %mul3A_286 : i32
        %add3A_288 = arith.addi %mul3A_285, %mul3A_287 : i32
        %dma_wait3A_289 = arith.constant 0 : i32
        %dma_wait3A_290 = arith.constant 0 : i32
        %dma_wait3A_291 = arith.constant 0 : i32
        %dma_wait3A_292 = arith.constant 0 : i32
        %dma_wait3A_293 = tpu.memref_slice %arg9[%dma_wait3A_289, %dma_wait3A_291, %dma_wait3A_292] : memref<4x80x128xf32, #tpu.memory_space<vmem>> -> memref<1x80x128xf32, #tpu.memory_space<vmem>>
        %dma_wait3A_294 = tpu.memref_squeeze %dma_wait3A_293 : memref<1x80x128xf32, #tpu.memory_space<vmem>> -> memref<80x128xf32, #tpu.memory_space<vmem>>
        %dma_wait3A_295 = arith.constant 0 : i32
        %dma_wait3A_296 = tpu.memref_slice %arg8[%add3A_288, %dma_wait3A_295] : memref<10000x128xf32, #tpu.memory_space<vmem_shared>> -> memref<80x128xf32, #tpu.memory_space<vmem_shared>>
        %dma_wait3A_297 = tpu.memref_slice %arg7[%dma_wait3A_290] : memref<4x!tpu.dma_semaphore, #tpu.memory_space<semaphore_mem>> -> memref<1x!tpu.dma_semaphore, #tpu.memory_space<semaphore_mem>>
        %dma_wait3A_298 = tpu.memref_squeeze %dma_wait3A_297 : memref<1x!tpu.dma_semaphore, #tpu.memory_space<semaphore_mem>> -> memref<!tpu.dma_semaphore, #tpu.memory_space<semaphore_mem>>
        %dma_wait3A_299 = arith.constant 0 : i32
        %dma_wait3A_300 = arith.constant 0 : i32
        %dma_wait3A_301 = tpu.memref_slice %arg9[%dma_wait3A_289, %dma_wait3A_299, %dma_wait3A_300] : memref<4x80x128xf32, #tpu.memory_space<vmem>> -> memref<1x80x128xf32, #tpu.memory_space<vmem>>
        %dma_wait3A_302 = tpu.memref_squeeze %dma_wait3A_301 : memref<1x80x128xf32, #tpu.memory_space<vmem>> -> memref<80x128xf32, #tpu.memory_space<vmem>>
        %dma_wait3A_303 = arith.constant 0 : i32
        %dma_wait3A_304 = tpu.memref_slice %arg8[%add3A_288, %dma_wait3A_303] : memref<10000x128xf32, #tpu.memory_space<vmem_shared>> -> memref<80x128xf32, #tpu.memory_space<vmem_shared>>
        tpu.wait_dma2 semaphore(%dma_wait3A_298 : memref<!tpu.dma_semaphore, #tpu.memory_space<semaphore_mem>>) src(%dma_wait3A_304 : memref<80x128xf32, #tpu.memory_space<vmem_shared>>) dst(%dma_wait3A_302 : memref<80x128xf32, #tpu.memory_space<vmem>>)
        %mul3A_305 = arith.constant 640 : i32
        %mul3A_306 = arith.muli %arg1, %mul3A_305 : i32
        %mul3A_307 = arith.constant 80 : i32
        %mul3A_308 = arith.muli %add3A_242, %mul3A_307 : i32
        %add3A_309 = arith.addi %mul3A_306, %mul3A_308 : i32
        %mul3A_310 = arith.constant 10000 : i32
        %mul3A_311 = arith.muli %arg0, %mul3A_310 : i32
        %add3A_312 = arith.addi %mul3A_311, %add3A_309 : i32
        %dma_start3A_313 = arith.constant 0 : i32
        %dma_start3A_314 = arith.constant 0 : i32
        %dma_start3A_315 = arith.constant 0 : i32
        %dma_start3A_316 = arith.constant 0 : i32
        %dma_start3A_317 = tpu.memref_slice %arg9[%dma_start3A_313, %dma_start3A_315, %dma_start3A_316] : memref<4x80x128xf32, #tpu.memory_space<vmem>> -> memref<1x80x128xf32, #tpu.memory_space<vmem>>
        %dma_start3A_318 = tpu.memref_squeeze %dma_start3A_317 : memref<1x80x128xf32, #tpu.memory_space<vmem>> -> memref<80x128xf32, #tpu.memory_space<vmem>>
        %dma_start3A_319 = arith.constant 0 : i32
        %dma_start3A_320 = tpu.memref_slice %arg4[%add3A_312, %dma_start3A_319] : memref<20000x128xf32, #tpu.memory_space<hbm>> -> memref<80x128xf32, #tpu.memory_space<hbm>>
        %dma_start3A_321 = tpu.memref_slice %arg10[%dma_start3A_314] : memref<4x!tpu.dma_semaphore, #tpu.memory_space<semaphore_mem>> -> memref<1x!tpu.dma_semaphore, #tpu.memory_space<semaphore_mem>>
        %dma_start3A_322 = tpu.memref_squeeze %dma_start3A_321 : memref<1x!tpu.dma_semaphore, #tpu.memory_space<semaphore_mem>> -> memref<!tpu.dma_semaphore, #tpu.memory_space<semaphore_mem>>
        %dma_start3A_323 = arith.constant 0 : i32
        %dma_start3A_324 = tpu.memref_slice %arg4[%add3A_312, %dma_start3A_323] : memref<20000x128xf32, #tpu.memory_space<hbm>> -> memref<80x128xf32, #tpu.memory_space<hbm>>
        %dma_start3A_325 = arith.constant 0 : i32
        %dma_start3A_326 = arith.constant 0 : i32
        %dma_start3A_327 = tpu.memref_slice %arg9[%dma_start3A_313, %dma_start3A_325, %dma_start3A_326] : memref<4x80x128xf32, #tpu.memory_space<vmem>> -> memref<1x80x128xf32, #tpu.memory_space<vmem>>
        %dma_start3A_328 = tpu.memref_squeeze %dma_start3A_327 : memref<1x80x128xf32, #tpu.memory_space<vmem>> -> memref<80x128xf32, #tpu.memory_space<vmem>>
        tpu.enqueue_dma source(%dma_start3A_328 : memref<80x128xf32, #tpu.memory_space<vmem>>) target(%dma_start3A_324 : memref<80x128xf32, #tpu.memory_space<hbm>>) target_semaphore(%dma_start3A_322 : memref<!tpu.dma_semaphore, #tpu.memory_space<semaphore_mem>>)
      } else {
      }
      %mul3A_248 = arith.constant 2 : i32
      %mul3A_249 = arith.muli %mul3A_248, %scan3A_237 : i32
      %add3A_250 = arith.constant 1 : i32
      %add3A_251 = arith.addi %mul3A_249, %add3A_250 : i32
      %mul3A_252 = arith.constant 80 : i32
      %mul3A_253 = arith.muli %add3A_251, %mul3A_252 : i32
      %lt3A_254 = arith.cmpi slt, %mul3A_253, %select_n3A : i32
      %convert_element_type3A_255 = arith.extui %lt3A_254 : i1 to i32
      %cond3A_256 = arith.constant 0 : i32
      %cond3A_257 = arith.cmpi ne, %convert_element_type3A_255, %cond3A_256 : i32
      scf.if %cond3A_257 {
        %ge3A = arith.constant 1 : i32
        %ge3A_259 = arith.cmpi sge, %scan3A_237, %ge3A : i32
        %convert_element_type3A_260 = arith.extui %ge3A_259 : i1 to i32
        %cond3A_261 = arith.constant 0 : i32
        %cond3A_262 = arith.cmpi ne, %convert_element_type3A_260, %cond3A_261 : i32
        scf.if %cond3A_262 {
          %sub3A = arith.constant 2 : i32
          %sub3A_329 = arith.subi %add3A_251, %sub3A : i32
          %mul3A_330 = arith.constant 640 : i32
          %mul3A_331 = arith.muli %arg1, %mul3A_330 : i32
          %mul3A_332 = arith.constant 80 : i32
          %mul3A_333 = arith.muli %sub3A_329, %mul3A_332 : i32
          %add3A_334 = arith.addi %mul3A_331, %mul3A_333 : i32
          %mul3A_335 = arith.constant 10000 : i32
          %mul3A_336 = arith.muli %arg0, %mul3A_335 : i32
          %add3A_337 = arith.addi %mul3A_336, %add3A_334 : i32
          %dma_wait3A_338 = arith.constant 1 : i32
          %dma_wait3A_339 = arith.constant 1 : i32
          %dma_wait3A_340 = arith.constant 0 : i32
          %dma_wait3A_341 = arith.constant 0 : i32
          %dma_wait3A_342 = tpu.memref_slice %arg9[%dma_wait3A_338, %dma_wait3A_340, %dma_wait3A_341] : memref<4x80x128xf32, #tpu.memory_space<vmem>> -> memref<1x80x128xf32, #tpu.memory_space<vmem>>
          %dma_wait3A_343 = tpu.memref_squeeze %dma_wait3A_342 : memref<1x80x128xf32, #tpu.memory_space<vmem>> -> memref<80x128xf32, #tpu.memory_space<vmem>>
          %dma_wait3A_344 = arith.constant 0 : i32
          %dma_wait3A_345 = tpu.memref_slice %arg4[%add3A_337, %dma_wait3A_344] : memref<20000x128xf32, #tpu.memory_space<hbm>> -> memref<80x128xf32, #tpu.memory_space<hbm>>
          %dma_wait3A_346 = tpu.memref_slice %arg10[%dma_wait3A_339] : memref<4x!tpu.dma_semaphore, #tpu.memory_space<semaphore_mem>> -> memref<1x!tpu.dma_semaphore, #tpu.memory_space<semaphore_mem>>
          %dma_wait3A_347 = tpu.memref_squeeze %dma_wait3A_346 : memref<1x!tpu.dma_semaphore, #tpu.memory_space<semaphore_mem>> -> memref<!tpu.dma_semaphore, #tpu.memory_space<semaphore_mem>>
          %dma_wait3A_348 = arith.constant 0 : i32
          %dma_wait3A_349 = tpu.memref_slice %arg4[%add3A_337, %dma_wait3A_348] : memref<20000x128xf32, #tpu.memory_space<hbm>> -> memref<80x128xf32, #tpu.memory_space<hbm>>
          %dma_wait3A_350 = arith.constant 0 : i32
          %dma_wait3A_351 = arith.constant 0 : i32
          %dma_wait3A_352 = tpu.memref_slice %arg9[%dma_wait3A_338, %dma_wait3A_350, %dma_wait3A_351] : memref<4x80x128xf32, #tpu.memory_space<vmem>> -> memref<1x80x128xf32, #tpu.memory_space<vmem>>
          %dma_wait3A_353 = tpu.memref_squeeze %dma_wait3A_352 : memref<1x80x128xf32, #tpu.memory_space<vmem>> -> memref<80x128xf32, #tpu.memory_space<vmem>>
          tpu.wait_dma2 semaphore(%dma_wait3A_347 : memref<!tpu.dma_semaphore, #tpu.memory_space<semaphore_mem>>) src(%dma_wait3A_353 : memref<80x128xf32, #tpu.memory_space<vmem>>) dst(%dma_wait3A_349 : memref<80x128xf32, #tpu.memory_space<hbm>>)
        } else {
        }
        %mul3A_263 = arith.constant 640 : i32
        %mul3A_264 = arith.muli %arg1, %mul3A_263 : i32
        %mul3A_265 = arith.constant 80 : i32
        %mul3A_266 = arith.muli %add3A_251, %mul3A_265 : i32
        %add3A_267 = arith.addi %mul3A_264, %mul3A_266 : i32
        %dma_start3A_268 = arith.constant 1 : i32
        %dma_start3A_269 = arith.constant 1 : i32
        %dma_start3A_270 = arith.constant 0 : i32
        %dma_start3A_271 = arith.constant 0 : i32
        %dma_start3A_272 = tpu.memref_slice %arg9[%dma_start3A_268, %dma_start3A_270, %dma_start3A_271] : memref<4x80x128xf32, #tpu.memory_space<vmem>> -> memref<1x80x128xf32, #tpu.memory_space<vmem>>
        %dma_start3A_273 = tpu.memref_squeeze %dma_start3A_272 : memref<1x80x128xf32, #tpu.memory_space<vmem>> -> memref<80x128xf32, #tpu.memory_space<vmem>>
        %dma_start3A_274 = arith.constant 0 : i32
        %dma_start3A_275 = tpu.memref_slice %arg8[%add3A_267, %dma_start3A_274] : memref<10000x128xf32, #tpu.memory_space<vmem_shared>> -> memref<80x128xf32, #tpu.memory_space<vmem_shared>>
        %dma_start3A_276 = tpu.memref_slice %arg7[%dma_start3A_269] : memref<4x!tpu.dma_semaphore, #tpu.memory_space<semaphore_mem>> -> memref<1x!tpu.dma_semaphore, #tpu.memory_space<semaphore_mem>>
        %dma_start3A_277 = tpu.memref_squeeze %dma_start3A_276 : memref<1x!tpu.dma_semaphore, #tpu.memory_space<semaphore_mem>> -> memref<!tpu.dma_semaphore, #tpu.memory_space<semaphore_mem>>
        %dma_start3A_278 = arith.constant 0 : i32
        %dma_start3A_279 = arith.constant 0 : i32
        %dma_start3A_280 = tpu.memref_slice %arg9[%dma_start3A_268, %dma_start3A_278, %dma_start3A_279] : memref<4x80x128xf32, #tpu.memory_space<vmem>> -> memref<1x80x128xf32, #tpu.memory_space<vmem>>
        %dma_start3A_281 = tpu.memref_squeeze %dma_start3A_280 : memref<1x80x128xf32, #tpu.memory_space<vmem>> -> memref<80x128xf32, #tpu.memory_space<vmem>>
        %dma_start3A_282 = arith.constant 0 : i32
        %dma_start3A_283 = tpu.memref_slice %arg8[%add3A_267, %dma_start3A_282] : memref<10000x128xf32, #tpu.memory_space<vmem_shared>> -> memref<80x128xf32, #tpu.memory_space<vmem_shared>>
        tpu.enqueue_dma source(%dma_start3A_283 : memref<80x128xf32, #tpu.memory_space<vmem_shared>>) target(%dma_start3A_281 : memref<80x128xf32, #tpu.memory_space<vmem>>) target_semaphore(%dma_start3A_277 : memref<!tpu.dma_semaphore, #tpu.memory_space<semaphore_mem>>)
        %mul3A_284 = arith.constant 640 : i32
        %mul3A_285 = arith.muli %arg1, %mul3A_284 : i32
        %mul3A_286 = arith.constant 80 : i32
        %mul3A_287 = arith.muli %add3A_251, %mul3A_286 : i32
        %add3A_288 = arith.addi %mul3A_285, %mul3A_287 : i32
        %dma_wait3A_289 = arith.constant 1 : i32
        %dma_wait3A_290 = arith.constant 1 : i32
        %dma_wait3A_291 = arith.constant 0 : i32
        %dma_wait3A_292 = arith.constant 0 : i32
        %dma_wait3A_293 = tpu.memref_slice %arg9[%dma_wait3A_289, %dma_wait3A_291, %dma_wait3A_292] : memref<4x80x128xf32, #tpu.memory_space<vmem>> -> memref<1x80x128xf32, #tpu.memory_space<vmem>>
        %dma_wait3A_294 = tpu.memref_squeeze %dma_wait3A_293 : memref<1x80x128xf32, #tpu.memory_space<vmem>> -> memref<80x128xf32, #tpu.memory_space<vmem>>
        %dma_wait3A_295 = arith.constant 0 : i32
        %dma_wait3A_296 = tpu.memref_slice %arg8[%add3A_288, %dma_wait3A_295] : memref<10000x128xf32, #tpu.memory_space<vmem_shared>> -> memref<80x128xf32, #tpu.memory_space<vmem_shared>>
        %dma_wait3A_297 = tpu.memref_slice %arg7[%dma_wait3A_290] : memref<4x!tpu.dma_semaphore, #tpu.memory_space<semaphore_mem>> -> memref<1x!tpu.dma_semaphore, #tpu.memory_space<semaphore_mem>>
        %dma_wait3A_298 = tpu.memref_squeeze %dma_wait3A_297 : memref<1x!tpu.dma_semaphore, #tpu.memory_space<semaphore_mem>> -> memref<!tpu.dma_semaphore, #tpu.memory_space<semaphore_mem>>
        %dma_wait3A_299 = arith.constant 0 : i32
        %dma_wait3A_300 = arith.constant 0 : i32
        %dma_wait3A_301 = tpu.memref_slice %arg9[%dma_wait3A_289, %dma_wait3A_299, %dma_wait3A_300] : memref<4x80x128xf32, #tpu.memory_space<vmem>> -> memref<1x80x128xf32, #tpu.memory_space<vmem>>
        %dma_wait3A_302 = tpu.memref_squeeze %dma_wait3A_301 : memref<1x80x128xf32, #tpu.memory_space<vmem>> -> memref<80x128xf32, #tpu.memory_space<vmem>>
        %dma_wait3A_303 = arith.constant 0 : i32
        %dma_wait3A_304 = tpu.memref_slice %arg8[%add3A_288, %dma_wait3A_303] : memref<10000x128xf32, #tpu.memory_space<vmem_shared>> -> memref<80x128xf32, #tpu.memory_space<vmem_shared>>
        tpu.wait_dma2 semaphore(%dma_wait3A_298 : memref<!tpu.dma_semaphore, #tpu.memory_space<semaphore_mem>>) src(%dma_wait3A_304 : memref<80x128xf32, #tpu.memory_space<vmem_shared>>) dst(%dma_wait3A_302 : memref<80x128xf32, #tpu.memory_space<vmem>>)
        %mul3A_305 = arith.constant 640 : i32
        %mul3A_306 = arith.muli %arg1, %mul3A_305 : i32
        %mul3A_307 = arith.constant 80 : i32
        %mul3A_308 = arith.muli %add3A_251, %mul3A_307 : i32
        %add3A_309 = arith.addi %mul3A_306, %mul3A_308 : i32
        %mul3A_310 = arith.constant 10000 : i32
        %mul3A_311 = arith.muli %arg0, %mul3A_310 : i32
        %add3A_312 = arith.addi %mul3A_311, %add3A_309 : i32
        %dma_start3A_313 = arith.constant 1 : i32
        %dma_start3A_314 = arith.constant 1 : i32
        %dma_start3A_315 = arith.constant 0 : i32
        %dma_start3A_316 = arith.constant 0 : i32
        %dma_start3A_317 = tpu.memref_slice %arg9[%dma_start3A_313, %dma_start3A_315, %dma_start3A_316] : memref<4x80x128xf32, #tpu.memory_space<vmem>> -> memref<1x80x128xf32, #tpu.memory_space<vmem>>
        %dma_start3A_318 = tpu.memref_squeeze %dma_start3A_317 : memref<1x80x128xf32, #tpu.memory_space<vmem>> -> memref<80x128xf32, #tpu.memory_space<vmem>>
        %dma_start3A_319 = arith.constant 0 : i32
        %dma_start3A_320 = tpu.memref_slice %arg4[%add3A_312, %dma_start3A_319] : memref<20000x128xf32, #tpu.memory_space<hbm>> -> memref<80x128xf32, #tpu.memory_space<hbm>>
        %dma_start3A_321 = tpu.memref_slice %arg10[%dma_start3A_314] : memref<4x!tpu.dma_semaphore, #tpu.memory_space<semaphore_mem>> -> memref<1x!tpu.dma_semaphore, #tpu.memory_space<semaphore_mem>>
        %dma_start3A_322 = tpu.memref_squeeze %dma_start3A_321 : memref<1x!tpu.dma_semaphore, #tpu.memory_space<semaphore_mem>> -> memref<!tpu.dma_semaphore, #tpu.memory_space<semaphore_mem>>
        %dma_start3A_323 = arith.constant 0 : i32
        %dma_start3A_324 = tpu.memref_slice %arg4[%add3A_312, %dma_start3A_323] : memref<20000x128xf32, #tpu.memory_space<hbm>> -> memref<80x128xf32, #tpu.memory_space<hbm>>
        %dma_start3A_325 = arith.constant 0 : i32
        %dma_start3A_326 = arith.constant 0 : i32
        %dma_start3A_327 = tpu.memref_slice %arg9[%dma_start3A_313, %dma_start3A_325, %dma_start3A_326] : memref<4x80x128xf32, #tpu.memory_space<vmem>> -> memref<1x80x128xf32, #tpu.memory_space<vmem>>
        %dma_start3A_328 = tpu.memref_squeeze %dma_start3A_327 : memref<1x80x128xf32, #tpu.memory_space<vmem>> -> memref<80x128xf32, #tpu.memory_space<vmem>>
        tpu.enqueue_dma source(%dma_start3A_328 : memref<80x128xf32, #tpu.memory_space<vmem>>) target(%dma_start3A_324 : memref<80x128xf32, #tpu.memory_space<hbm>>) target_semaphore(%dma_start3A_322 : memref<!tpu.dma_semaphore, #tpu.memory_space<semaphore_mem>>)
      } else {
      }
      %scan3A_258 = arith.constant 0 : i32
      scf.yield %scan3A_258 : i32
    }
    %scan3A_229 = arith.constant 4 : i32
    %scan3A_230 = arith.constant 0 : i32
    %scan3A_231 = arith.constant 0 : i32
    %scan3A_232 = arith.constant 4 : i32
    %scan3A_233 = arith.addi %scan3A_231, %scan3A_232 : i32
    %scan3A_234 = arith.constant 1 : i32
    %scan3A_235 = scf.for %scan3A_237 = %scan3A_231 to %scan3A_233 step %scan3A_234 iter_args(%scan3A_238 = %scan3A_230) -> (i32)  : i32 {
      %mul3A_239 = arith.constant 2 : i32
      %mul3A_240 = arith.muli %mul3A_239, %scan3A_237 : i32
      %add3A_241 = arith.constant 0 : i32
      %add3A_242 = arith.addi %mul3A_240, %add3A_241 : i32
      %mul3A_243 = arith.constant 80 : i32
      %mul3A_244 = arith.muli %add3A_242, %mul3A_243 : i32
      %lt3A = arith.cmpi slt, %mul3A_244, %select_n3A : i32
      %add3A_245 = arith.constant 2 : i32
      %add3A_246 = arith.addi %add3A_242, %add3A_245 : i32
      %mul3A_247 = arith.constant 80 : i32
      %mul3A_248 = arith.muli %add3A_246, %mul3A_247 : i32
      %ge3A = arith.cmpi sge, %mul3A_248, %select_n3A : i32
      %and3A = arith.andi %lt3A, %ge3A : i1
      %convert_element_type3A_249 = arith.extui %and3A : i1 to i32
      %cond3A_250 = arith.constant 0 : i32
      %cond3A_251 = arith.cmpi ne, %convert_element_type3A_249, %cond3A_250 : i32
      scf.if %cond3A_251 {
        %mul3A_269 = arith.constant 640 : i32
        %mul3A_270 = arith.muli %arg1, %mul3A_269 : i32
        %mul3A_271 = arith.constant 80 : i32
        %mul3A_272 = arith.muli %add3A_242, %mul3A_271 : i32
        %add3A_273 = arith.addi %mul3A_270, %mul3A_272 : i32
        %mul3A_274 = arith.constant 10000 : i32
        %mul3A_275 = arith.muli %arg0, %mul3A_274 : i32
        %add3A_276 = arith.addi %mul3A_275, %add3A_273 : i32
        %dma_wait3A_277 = arith.constant 0 : i32
        %dma_wait3A_278 = arith.constant 0 : i32
        %dma_wait3A_279 = arith.constant 0 : i32
        %dma_wait3A_280 = arith.constant 0 : i32
        %dma_wait3A_281 = tpu.memref_slice %arg9[%dma_wait3A_277, %dma_wait3A_279, %dma_wait3A_280] : memref<4x80x128xf32, #tpu.memory_space<vmem>> -> memref<1x80x128xf32, #tpu.memory_space<vmem>>
        %dma_wait3A_282 = tpu.memref_squeeze %dma_wait3A_281 : memref<1x80x128xf32, #tpu.memory_space<vmem>> -> memref<80x128xf32, #tpu.memory_space<vmem>>
        %dma_wait3A_283 = arith.constant 0 : i32
        %dma_wait3A_284 = tpu.memref_slice %arg4[%add3A_276, %dma_wait3A_283] : memref<20000x128xf32, #tpu.memory_space<hbm>> -> memref<80x128xf32, #tpu.memory_space<hbm>>
        %dma_wait3A_285 = tpu.memref_slice %arg10[%dma_wait3A_278] : memref<4x!tpu.dma_semaphore, #tpu.memory_space<semaphore_mem>> -> memref<1x!tpu.dma_semaphore, #tpu.memory_space<semaphore_mem>>
        %dma_wait3A_286 = tpu.memref_squeeze %dma_wait3A_285 : memref<1x!tpu.dma_semaphore, #tpu.memory_space<semaphore_mem>> -> memref<!tpu.dma_semaphore, #tpu.memory_space<semaphore_mem>>
        %dma_wait3A_287 = arith.constant 0 : i32
        %dma_wait3A_288 = tpu.memref_slice %arg4[%add3A_276, %dma_wait3A_287] : memref<20000x128xf32, #tpu.memory_space<hbm>> -> memref<80x128xf32, #tpu.memory_space<hbm>>
        %dma_wait3A_289 = arith.constant 0 : i32
        %dma_wait3A_290 = arith.constant 0 : i32
        %dma_wait3A_291 = tpu.memref_slice %arg9[%dma_wait3A_277, %dma_wait3A_289, %dma_wait3A_290] : memref<4x80x128xf32, #tpu.memory_space<vmem>> -> memref<1x80x128xf32, #tpu.memory_space<vmem>>
        %dma_wait3A_292 = tpu.memref_squeeze %dma_wait3A_291 : memref<1x80x128xf32, #tpu.memory_space<vmem>> -> memref<80x128xf32, #tpu.memory_space<vmem>>
        tpu.wait_dma2 semaphore(%dma_wait3A_286 : memref<!tpu.dma_semaphore, #tpu.memory_space<semaphore_mem>>) src(%dma_wait3A_292 : memref<80x128xf32, #tpu.memory_space<vmem>>) dst(%dma_wait3A_288 : memref<80x128xf32, #tpu.memory_space<hbm>>)
      } else {
      }
      %mul3A_252 = arith.constant 2 : i32
      %mul3A_253 = arith.muli %mul3A_252, %scan3A_237 : i32
      %add3A_254 = arith.constant 1 : i32
      %add3A_255 = arith.addi %mul3A_253, %add3A_254 : i32
      %mul3A_256 = arith.constant 80 : i32
      %mul3A_257 = arith.muli %add3A_255, %mul3A_256 : i32
      %lt3A_258 = arith.cmpi slt, %mul3A_257, %select_n3A : i32
      %add3A_259 = arith.constant 2 : i32
      %add3A_260 = arith.addi %add3A_255, %add3A_259 : i32
      %mul3A_261 = arith.constant 80 : i32
      %mul3A_262 = arith.muli %add3A_260, %mul3A_261 : i32
      %ge3A_263 = arith.cmpi sge, %mul3A_262, %select_n3A : i32
      %and3A_264 = arith.andi %lt3A_258, %ge3A_263 : i1
      %convert_element_type3A_265 = arith.extui %and3A_264 : i1 to i32
      %cond3A_266 = arith.constant 0 : i32
      %cond3A_267 = arith.cmpi ne, %convert_element_type3A_265, %cond3A_266 : i32
      scf.if %cond3A_267 {
        %mul3A_269 = arith.constant 640 : i32
        %mul3A_270 = arith.muli %arg1, %mul3A_269 : i32
        %mul3A_271 = arith.constant 80 : i32
        %mul3A_272 = arith.muli %add3A_255, %mul3A_271 : i32
        %add3A_273 = arith.addi %mul3A_270, %mul3A_272 : i32
        %mul3A_274 = arith.constant 10000 : i32
        %mul3A_275 = arith.muli %arg0, %mul3A_274 : i32
        %add3A_276 = arith.addi %mul3A_275, %add3A_273 : i32
        %dma_wait3A_277 = arith.constant 1 : i32
        %dma_wait3A_278 = arith.constant 1 : i32
        %dma_wait3A_279 = arith.constant 0 : i32
        %dma_wait3A_280 = arith.constant 0 : i32
        %dma_wait3A_281 = tpu.memref_slice %arg9[%dma_wait3A_277, %dma_wait3A_279, %dma_wait3A_280] : memref<4x80x128xf32, #tpu.memory_space<vmem>> -> memref<1x80x128xf32, #tpu.memory_space<vmem>>
        %dma_wait3A_282 = tpu.memref_squeeze %dma_wait3A_281 : memref<1x80x128xf32, #tpu.memory_space<vmem>> -> memref<80x128xf32, #tpu.memory_space<vmem>>
        %dma_wait3A_283 = arith.constant 0 : i32
        %dma_wait3A_284 = tpu.memref_slice %arg4[%add3A_276, %dma_wait3A_283] : memref<20000x128xf32, #tpu.memory_space<hbm>> -> memref<80x128xf32, #tpu.memory_space<hbm>>
        %dma_wait3A_285 = tpu.memref_slice %arg10[%dma_wait3A_278] : memref<4x!tpu.dma_semaphore, #tpu.memory_space<semaphore_mem>> -> memref<1x!tpu.dma_semaphore, #tpu.memory_space<semaphore_mem>>
        %dma_wait3A_286 = tpu.memref_squeeze %dma_wait3A_285 : memref<1x!tpu.dma_semaphore, #tpu.memory_space<semaphore_mem>> -> memref<!tpu.dma_semaphore, #tpu.memory_space<semaphore_mem>>
        %dma_wait3A_287 = arith.constant 0 : i32
        %dma_wait3A_288 = tpu.memref_slice %arg4[%add3A_276, %dma_wait3A_287] : memref<20000x128xf32, #tpu.memory_space<hbm>> -> memref<80x128xf32, #tpu.memory_space<hbm>>
        %dma_wait3A_289 = arith.constant 0 : i32
        %dma_wait3A_290 = arith.constant 0 : i32
        %dma_wait3A_291 = tpu.memref_slice %arg9[%dma_wait3A_277, %dma_wait3A_289, %dma_wait3A_290] : memref<4x80x128xf32, #tpu.memory_space<vmem>> -> memref<1x80x128xf32, #tpu.memory_space<vmem>>
        %dma_wait3A_292 = tpu.memref_squeeze %dma_wait3A_291 : memref<1x80x128xf32, #tpu.memory_space<vmem>> -> memref<80x128xf32, #tpu.memory_space<vmem>>
        tpu.wait_dma2 semaphore(%dma_wait3A_286 : memref<!tpu.dma_semaphore, #tpu.memory_space<semaphore_mem>>) src(%dma_wait3A_292 : memref<80x128xf32, #tpu.memory_space<vmem>>) dst(%dma_wait3A_288 : memref<80x128xf32, #tpu.memory_space<hbm>>)
      } else {
      }
      %scan3A_268 = arith.constant 0 : i32
      scf.yield %scan3A_268 : i32
    }
    %scan3A_236 = arith.constant 4 : i32
    return
  }
}

module attributes {stable_mosaic.version = 14 : i64} {
  func.func @_mm_body(%arg0: i32, %arg1: memref<5000x128xf32, #tpu.memory_space<vmem>>, %arg2: memref<5000x128xf32, #tpu.memory_space<vmem>>, %arg3: memref<128x128xf32, #tpu.memory_space<vmem>>, %arg4: memref<1x128xf32, #tpu.memory_space<vmem>>, %arg5: memref<5000x128xf32, #tpu.memory_space<vmem>>) attributes {dimension_semantics = [#tpu.dimension_semantics<arbitrary>], iteration_bounds = array<i64: 2>, scalar_prefetch = 0 : i64, scratch_operands = 0 : i64, tpu.core_type = #tpu.core_type<tc>, window_params = [{transform_indices = @transform_0, window_bounds = array<i64: 5000, 128>}, {transform_indices = @transform_1, window_bounds = array<i64: 5000, 128>}, {pipeline_mode = #tpu.pipeline_mode<synchronous>, transform_indices = @transform_2, window_bounds = array<i64: 128, 128>}, {pipeline_mode = #tpu.pipeline_mode<synchronous>, transform_indices = @transform_3, window_bounds = array<i64: 1, 128>}, {transform_indices = @transform_4, window_bounds = array<i64: 5000, 128>}]} {
    %get3A = arith.constant 0 : index
    %get3A_0 = arith.constant 0 : index
    %get3A_1 = vector.load %arg1[%get3A, %get3A_0] : memref<5000x128xf32, #tpu.memory_space<vmem>>, vector<5000x128xf32>
    %get3A_2 = arith.constant 0 : index
    %get3A_3 = arith.constant 0 : index
    %get3A_4 = vector.load %arg2[%get3A_2, %get3A_3] : memref<5000x128xf32, #tpu.memory_space<vmem>>, vector<5000x128xf32>
    %add3A = arith.addf %get3A_1, %get3A_4 : vector<5000x128xf32>
    %get3A_5 = arith.constant 0 : index
    %get3A_6 = arith.constant 0 : index
    %get3A_7 = vector.load %arg3[%get3A_5, %get3A_6] : memref<128x128xf32, #tpu.memory_space<vmem>>, vector<128x128xf32>
    %dot_general3A = arith.constant dense<0.000000e+00> : vector<5000x128xf32>
    %dot_general3A_8 = tpu.matmul %add3A, %get3A_7, %dot_general3A {dimension_numbers = #tpu.dot_dimension_numbers<[1], [1], [0], [0], [0, 0, 1, 0], [], []>, transpose_lhs_hint = false} : vector<5000x128xf32>, vector<128x128xf32>, vector<5000x128xf32> -> vector<5000x128xf32>
    %get3A_9 = arith.constant 0 : index
    %get3A_10 = arith.constant 0 : index
    %get3A_11 = vector.load %arg4[%get3A_9, %get3A_10] : memref<1x128xf32, #tpu.memory_space<vmem>>, vector<1x128xf32>
    %add3A_12 = vector.broadcast %get3A_11 : vector<1x128xf32> to vector<5000x128xf32>
    %add3A_13 = arith.addf %dot_general3A_8, %add3A_12 : vector<5000x128xf32>
    %swap3A = arith.constant 0 : index
    %swap3A_14 = arith.constant 0 : index
    %swap3A_15 = vector.load %arg5[%swap3A, %swap3A_14] : memref<5000x128xf32, #tpu.memory_space<vmem>>, vector<5000x128xf32>
    tpu.vector_store %arg5[%swap3A, %swap3A_14], %add3A_13 {strides = array<i32>} : memref<5000x128xf32, #tpu.memory_space<vmem>>, vector<5000x128xf32>,
    return
  }
  func.func @transform_0(%arg0: i32) -> (i32, i32) {
    %c0_i32 = arith.constant 0 : i32
    %c0_i32_0 = arith.constant 0 : i32
    return %arg0, %c0_i32 : i32, i32
  }
  func.func @transform_1(%arg0: i32) -> (i32, i32) {
    %add3A = arith.constant 2 : i32
    %add3A_0 = arith.addi %arg0, %add3A : i32
    %c0_i32 = arith.constant 0 : i32
    %c0_i32_1 = arith.constant 0 : i32
    return %add3A_0, %c0_i32 : i32, i32
  }
  func.func @transform_2(%arg0: i32) -> (i32, i32) {
    %c0_i32 = arith.constant 0 : i32
    %c0_i32_0 = arith.constant 0 : i32
    %c0_i32_1 = arith.constant 0 : i32
    return %c0_i32, %c0_i32_0 : i32, i32
  }
  func.func @transform_3(%arg0: i32) -> (i32, i32) {
    %c0_i32 = arith.constant 0 : i32
    %c0_i32_0 = arith.constant 0 : i32
    %c0_i32_1 = arith.constant 0 : i32
    return %c0_i32, %c0_i32_0 : i32, i32
  }
  func.func @transform_4(%arg0: i32) -> (i32, i32) {
    %c0_i32 = arith.constant 0 : i32
    %c0_i32_0 = arith.constant 0 : i32
    return %arg0, %c0_i32 : i32, i32
  }
}

</mosaic_0001>

<sc_bundles>
// kernel: kernel.4.cloned.1.call-start
scs
__scs_entry_jumppad:
0x0: {  	(pc) =	sbr.rel $0x88, $3  }
0x1: {  	(tag) =	ssettag $0x0;
	lr =	simm.s32 $0x1  }
0x2: {  	[smem:$0x3F9D] =	sst lr;
	_ =	strace $0xD0000000  }
0x3: {  	_ = 	snop  }
0x4: {  	_ = 	snop  }
0x5: {  	_ = 	snop  }
0x6: {  	_ = 	snop  }
0x7: {  	_ = 	snop  }
__scs_overlays_trampoline_lowered:
0x8: {  	[smem:$0x3FAC] =	sst s0  }
0x9: {  	[smem:$0x3FAD] =	sst s1  }
0xa: {  	[smem:$0x3FAE] =	sst s2  }
0xb: {  	[smem:$0x3FAF] =	sst s3  }
0xc: {  	[smem:$0x3FB0] =	sst s4  }
0xd: {  	[smem:$0x3FB1] =	sst s5  }
0xe: {  	[smem:$0x3FB2] =	sst s6  }
0xf: {  	[smem:$0x3FB3] =	sst s7  }
0x10: {  	[smem:$0x3FB4] =	sst s8  }
0x11: {  	[smem:$0x3FB5] =	sst s9;
	s0 =	simm.s32 @!p0 $0x0  }
0x12: {  	s1 =	sld [smem:$0x3F9B];
	s0 =	simm.s32 @p0 $0x1  }
0x13: {  	[smem:$0x3FB6] =	sst s0;
	s0 =	simm.s32 @!p1 $0x0  }
0x14: {  	s2 =	sld [smem:$0x3F9A];
	s0 =	simm.s32 @p1 $0x1  }
0x15: {  	[smem:$0x3FB7] =	sst s0;
	s0 =	simm.s32 @!p2 $0x0  }
0x16: {  	s3 =	sld [smem:$0x3FDB];
	s0 =	simm.s32 @p2 $0x1  }
0x17: {  	s4 =	simm.s32 $0x1BF5;
	[smem:$0x3FB9] =	sst s0  }
0x18: {  	s0 =	sld [smem:$0x3F9C];
	_ =	swait.ge [sflag:s4], $0x0  }
0x19: {  	s7 =	sld [smem:$0x3F9D]  }
0x1a: {  	s8 =	sadd.s32 $0xFFFFE003, lr  }
0x1b: {  	s9 =	sadd.s32 $0xFFFFFEF7, lr;
	s5 =	simm.s32 $0xFFFFFFFF;
	p2 =	slt.u32 s8, $0xFFFFF086  }
0x1c: {  	p1 =	slt.u32 s9, $0xF7A;
	s5 =	simm.s32 @!p2 $0x0  }
0x1d: {  	s5 =	simm.s32 @p1 $0x1;
	p0 =	seq.s32 s7, s2  }
0x1e: {  	s7 =	smul.u32 @!p0 $0xF7A, s2;
	p2 =	seq.s32 @!p0 s5, $0x0  }
0x1f: {  	s9 =	smul.u32 $0xF7A, s1;
	s8 =	simm.s32 @!p0 $0x1BF5;
	p2 =	por !p2, p0  }
0x20: {  	[sflag:s8] =	ssyncset.s32 @!p0 $0xFFFFF086;
	s6 =	sadd.s32 @!p0 s3, s7;
	s7 =	simm.s32 @!p0 $0x108  }
0x21: {  	s3 =	sadd.s32 s3, s9;
	s6 =	sadd.s32 @!p0 $0x88, s6;
	s7 =	simm.s32 @p2 $0x1082  }
0x22: {  	[simem:s7], [sflag:s8] =	dma.local @!p0 [hbm:s6], $0xF7A  }
0x23: {  	s9 =	sor.u32 $0xD0000000, s2;
	s6 =	simm.s32 $0x108;
	_ =	swait.ge @!p0 [sflag:s8], $0x0  }
0x24: {  	s3 =	sadd.s32 $0x88, s3;
	s6 =	simm.s32 @!p1 $0x1082;
	[sflag:s4] =	ssyncset.s32 $0xFFFFF086  }
0x25: {  	[simem:s6], [sflag:s4] =	dma.local [hbm:s3], $0xF7A  }
0x26: {  	[smem:$0x3F9D] =	sst s1;
	(tag) =	ssettag s2;
	_ =	strace s9  }
0x27: {  	s1 =	sld [smem:$0x3FAD]  }
0x28: {  	s2 =	sld [smem:$0x3FAE]  }
0x29: {  	s4 =	sld [smem:$0x3FB0]  }
0x2a: {  	p0 =	seq.s32 s5, $0x0;
	s5 =	sld [smem:$0x3FB1]  }
0x2b: {  	s6 =	sld [smem:$0x3FB2]  }
0x2c: {  	s7 =	sld [smem:$0x3FB3]  }
0x2d: {  	s3 =	simm.s32 $0x108;
	s8 =	sld [smem:$0x3FB4]  }
0x2e: {  	s3 =	simm.s32 @!p0 $0x1082;
	s9 =	sld [smem:$0x3FB5]  }
0x2f: {  	lr =	sadd.s32 s0, s3;
	s0 =	sld [smem:$0x3FAC]  }
0x30: {  	s3 =	sld [smem:$0x3FAF]  }
0x31: {  	[smem:$0x3FB8] =	sst s10  }
0x32: {  	s10 =	sld [smem:$0x3FB6];
	_ =	sdelay $0x3  }
0x33: {  	p0 =	seq.s32 s10, $0x1;
	s10 =	sld [smem:$0x3FB8];
	_ =	sdelay $0x3  }
0x34: {  	[smem:$0x3FB8] =	sst s10  }
0x35: {  	s10 =	sld [smem:$0x3FB7];
	_ =	sdelay $0x3  }
0x36: {  	p1 =	seq.s32 s10, $0x1;
	s10 =	sld [smem:$0x3FB8];
	_ =	sdelay $0x3  }
0x37: {  	[smem:$0x3FB8] =	sst s10  }
0x38: {  	s10 =	sld [smem:$0x3FB9]  }
0x39: {  	_ = 	snop;
	(pc) =	sbr.ind lr, $3  }
0x3a: {  	_ = 	snop  }
0x3b: {  	_ = 	snop  }
0x3c: {  	p2 =	seq.s32 s10, $0x1;
	s10 =	sld [smem:$0x3FB8]  }
0x3d: {  	_ =	shalt  }
0x3e: {  	_ =	shalt  }
0x3f: {  	_ =	shalt  }
0x40: {  	_ =	shalt  }
0x41: {  	_ =	shalt  }
0x42: {  	_ =	shalt  }
0x43: {  	_ =	shalt  }
0x44: {  	_ =	shalt  }
0x45: {  	_ =	shalt  }
0x46: {  	_ =	shalt  }
0x47: {  	_ =	shalt  }
0x48: {  	_ =	shalt  }
0x49: {  	_ =	shalt  }
0x4a: {  	_ =	shalt  }
0x4b: {  	_ =	shalt  }
0x4c: {  	_ =	shalt  }
0x4d: {  	_ =	shalt  }
0x4e: {  	_ =	shalt  }
0x4f: {  	_ =	shalt  }
0x50: {  	_ =	shalt  }
0x51: {  	_ =	shalt  }
0x52: {  	_ =	shalt  }
0x53: {  	_ =	shalt  }
0x54: {  	_ =	shalt  }
0x55: {  	_ =	shalt  }
0x56: {  	_ =	shalt  }
0x57: {  	_ =	shalt  }
0x58: {  	_ =	shalt  }
0x59: {  	_ =	shalt  }
0x5a: {  	_ =	shalt  }
0x5b: {  	_ =	shalt  }
0x5c: {  	_ =	shalt  }
0x5d: {  	_ =	shalt  }
0x5e: {  	_ =	shalt  }
0x5f: {  	_ =	shalt  }
0x60: {  	_ =	shalt  }
0x61: {  	_ =	shalt  }
0x62: {  	_ =	shalt  }
0x63: {  	_ =	shalt  }
0x64: {  	_ =	shalt  }
0x65: {  	_ =	shalt  }
0x66: {  	_ =	shalt  }
0x67: {  	_ =	shalt  }
0x68: {  	_ =	shalt  }
0x69: {  	_ =	shalt  }
0x6a: {  	_ =	shalt  }
0x6b: {  	_ =	shalt  }
0x6c: {  	_ =	shalt  }
0x6d: {  	_ =	shalt  }
0x6e: {  	_ =	shalt  }
0x6f: {  	_ =	shalt  }
0x70: {  	_ =	shalt  }
0x71: {  	_ =	shalt  }
0x72: {  	_ =	shalt  }
0x73: {  	_ =	shalt  }
0x74: {  	_ =	shalt  }
0x75: {  	_ =	shalt  }
0x76: {  	_ =	shalt  }
0x77: {  	_ =	shalt  }
0x78: {  	_ =	shalt  }
0x79: {  	_ =	shalt  }
0x7a: {  	_ =	shalt  }
0x7b: {  	_ =	shalt  }
0x7c: {  	_ =	shalt  }
0x7d: {  	_ =	shalt  }
0x7e: {  	_ =	shalt  }
0x7f: {  	_ =	shalt  }
0x80: {  	_ =	shalt  }
0x81: {  	_ =	shalt  }
0x82: {  	_ =	shalt  }
0x83: {  	_ =	shalt  }
0x84: {  	_ =	shalt  }
0x85: {  	_ =	shalt  }
0x86: {  	_ =	shalt  }
0x87: {  	_ =	shalt  }
.Lfunc_end0:
.L_simem_size_0:
called_computation_lowered:
.L_overlay_start_0:
0x88: {  	s2 =	sld [smem:$0x3FD9]  }
0x89: {  	s3 =	sld [smem:$0x3FFE];
	_ =	sdelay $0x1  }
0x8a: {  	s1 =	srdreg.scid  }
0x8b: {  	s0 =	sand.u32 $0x1, s1  }
0x8c: {  	s17 =	sshll.u32 s0, $0xA;
	s2 =	sadd.s32 s3, s2  }
0x8d: {  	s2 =	sadd.s32 s2, s17  }
0x8e: {  	[smem:$0x3FC4] =	sst s2  }
0x8f: {  	_ = 	snop  }
0x90: {  	s2 =	sld [smem:$0x3FC9]  }
0x91: {  	s18 =	sld [smem:$0x3FC8];
	(tm) =	ssettm $0x1  }
0x92: {  	s4 =	sld [smem:$0x3FFB];
	_ =	sdelay $0x3  }
0x93: {  	_ =	strace s4  }
0x94: {  	s4 =	sld [smem:$0x3FFC];
	_ =	sdelay $0x3  }
0x95: {  	_ =	strace s4  }
0x96: {  	s4 =	sld [smem:$0x3FFD];
	_ =	sdelay $0x3  }
0x97: {  	_ =	strace s4  }
0x98: {  	_ =	strace $0x8FFFFFFF  }
0x99: {  	s19 =	sld [smem:$0x3FDB];
	_ =	sdelay $0x1  }
0x9a: {  	s5 =	simm.s32 $_scs_section_size  }
0x9b: {  	s6 =	simm.s32 $_size__tile_overlayer_lowered;
	s7 =	simm.s32 $_tile_overlayer_lowered  }
0x9c: {  	s22 =	simm.s32 $0x1BFF;
	s21 =	sshll.u32 s7, $0x1;
	s4 =	sadd.s32 s5, s19  }
0x9d: {  	s8 =	simm.s32 $0x0;
	s20 =	sshll.u32 s6, $0x1;
	s6 =	sadd.s32 s21, s4  }
0x9e: {  	[timem:s8], [sflag:s22] =	dma.local [hbm:s6], s20  }
0x9f: {  	_ =	swait.ge [sflag:s22], s20  }
0xa0: {  	s5 =	ssub.s32 $0x0, s20;
	[sflag:s22] =	ssyncset.done $0x0  }
0xa1: {  	[sflag:s22] =	ssyncadd.s32 s5;
	_ =	sdelay $0x1  }
0xa2: {  	s23 =	simm.s32 $0x1B8B  }
0xa3: {  	_ =	swait.ge [sflag:s23], $0x1  }
0xa4: {  	[sflag:s23] =	ssyncset.done $0x0  }
0xa5: {  	s25 =	simm.s32 $0x1B8E;
	s24 =	sld [smem:$0x3FFE];
	[sflag:s23] =	ssyncadd.s32 $0xFFFFFFFF  }
0xa6: {  	s26 =	simm.s32 $execute0_lowered;
	[smem:$0x3FD2] =	sst s25  }
0xa7: {  	s6 =	sshll.u32 s26, $0x1;
	_ =	strace $0x80000046;
	[dreg:$0x1] =	wrdreg $0xFFFFFFFF  }
0xa8: {  	s28 =	simm.s32 $_size_execute0_lowered;
	s4 =	sadd.s32 s4, s6;
	[dreg:$0x0] =	wrdreg $0x0  }
0xa9: {  	s6 =	sshll.u32 s28, $0x1;
	[dreg:$0x2] =	wrdreg s4  }
0xaa: {  	[dreg:$0x3] =	wrdreg s6  }
0xab: {  	[dreg:$0x4] =	wrdreg $0xC0  }
0xac: {  	_ =	task [dreg:s8], $0x5FFFF  }
0xad: {  	[dreg:$0x1] =	wrdreg $0xFFFFFFFF  }
0xae: {  	[dreg:$0x0] =	wrdreg $0x60  }
0xaf: {  	[dreg:$0x2] =	wrdreg s2  }
0xb0: {  	[dreg:$0x3] =	wrdreg s18  }
0xb1: {  	[dreg:$0x4] =	wrdreg s24  }
0xb2: {  	[dreg:$0x5] =	wrdreg $0x27100  }
0xb3: {  	[dreg:$0x6] =	wrdreg $0x9  }
0xb4: {  	_ =	task.clear_ibuf [dreg:s8], $0x7FFFF;
	_ =	strace $0x90000046  }
0xb5: {  	s29 =	simm.s32 $0x9;
	_ =	strace $0x80000048  }
0xb6: {  	_ =	swait.ge [sflag:s29], $0x1  }
0xb7: {  	[sflag:s29] =	ssyncadd.s32 $0xFFFFFFFF  }
0xb8: {  	_ =	strace $0x90000048  }
0xb9: {  	_ =	sfence  }
0xba: {  	s30 =	sld [smem:$0x0];
	_ =	sdelay $0x2  }
0xbb: {  	s31 =	sshll.u32 s1, $0xD;
	s1 =	sshrl.u32 s1, $0x2  }
0xbc: {  	s3 =	sand.u32 $0x4000, s31;
	s1 =	sadd.s32 s1, s30  }
0xbd: {  	s0 =	sor.u32 s3, s0;
	s1 =	sshll.u32 s1, $0x11  }
0xbe: {  	s0 =	sor.u32 s1, s0  }
0xbf: {  	s0 =	sadd.s32 $0x8F2B, s0  }
0xc0: {  	[sflag:s0] =	ssyncadd.remote.s32 $0x1  }
0xc1: {  	_ =	sfence.sel $0xFFFF  }
0xc2: {  	[dreg:$0x0] =	wrdreg $0xFFFFFFFF;
	(pc) =	sbr.abs _section_cstart, $3  }
0xc3: {  	[dreg:$0x1] =	wrdreg $0xFFFFFFFF  }
0xc4: {  	_ =	task.clear_ibuf [dreg:s8], $0x2FFFF;
	_ =	strace $0x9FFFFFFF  }
0xc5: {  	(tm) =	ssettm $0x7FFFFFFF  }
tec
execute0_lowered:
.L_overlay_start_1:
0x0: {  	(tag) =	ssettag $0x1  }
0x1: {  	s1 =	rddreg [dreg:$0x0]  }
0x2: {  	s0 =	srdreg.scid;
	s4 =	rddreg [dreg:$0x1]  }
0x3: {  	s19 =	stileid.u32;
	s5 =	rddreg [dreg:$0x2];
	s3 =	simm.s32 $0x0  }
0x4: {  	s0 =	sand.u32 $0x1, s0;
	[smem:$0x7FF] =	sst s3;
	s10 =	smul.u32 $0x280, s19  }
0x5: {  	s5 =	sadd.s32 $0xA00, s5;
	s24 =	smul.u32 $0x50000, s19;
	p0 =	seq.s32 s19, $0xF  }
0x6: {  	s2 =	sshll.u32 s0, $0x4;
	s9 =	ssub.s32 $0x2, s0;
	s12 =	smul.u32 $0x2710, s0  }
0x7: {  	s0 =	smul.u32 $0x27100, s0;
	s6 =	sor.u32 s19, s2;
	s2 =	rddreg [dreg:$0x3]  }
0x8: {  	_ =	strace $0x80000047;
	s11 =	sshrl.u32 s9, $0x1;
	s7 =	smul.u32 $0x2710, s6  }
0x9: {  	s26 =	sshrl.u32 s24, $0x2;
	s8 =	smul.u32 $0x138800, s6;
	s9 =	ssub.s32 s9, s11  }
0xa: {  	s13 =	sadd.s32 s12, s10;
	s6 =	smul.u32 $0x27100, s6;
	s11 =	sadd.s32 $0xA0, s10  }
0xb: {  	s7 =	sshrl.u32 s7, $0x3;
	s31 =	sshrl.u32 s8, $0x3;
	s8 =	sor.u32 $0x50, s10  }
0xc: {  	s4 =	sadd.s32 s4, s7;
	s7 =	sshll.u32 s13, $0x4;
	s14 =	sadd.s32 s12, s8  }
0xd: {  	s13 =	sadd.s32 s12, s11;
	[dreg:$0x5] =	wrdreg s4;
	s7 =	sadd.s32 s5, s7  }
0xe: {  	s15 =	sshll.u32 s13, $0x4;
	s13 =	sadd.s32 $0x140, s10;
	s4 =	sadd.s32 s1, s31  }
0xf: {  	[dreg:$0x6] =	wrdreg s7;
	s7 =	sshll.u32 s14, $0x4;
	s25 =	sadd.s32 $0x500, s4  }
0x10: {  	s14 =	sadd.s32 $0xF0, s10;
	s31 =	sadd.s32 $0xA00, s4;
	[dreg:$0xf] =	wrdreg s25  }
0x11: {  	s18 =	sadd.s32 s12, s13;
	s4 =	sadd.s32 $0xF00, s4;
	[dreg:$0x10] =	wrdreg s31  }
0x12: {  	s7 =	sadd.s32 s5, s7;
	s16 =	sadd.s32 s12, s14;
	[dreg:$0x11] =	wrdreg s4  }
0x13: {  	[dreg:$0x7] =	wrdreg s7;
	s7 =	sadd.s32 s5, s15;
	s17 =	sshll.u32 s16, $0x4  }
0x14: {  	s15 =	sadd.s32 $0x190, s10;
	s16 =	smul.u32 $0x2710, s19;
	s19 =	simm.s32 $0x3  }
0x15: {  	[dreg:$0x8] =	wrdreg s7;
	s7 =	sadd.s32 s5, s17;
	s20 =	sadd.s32 s12, s15  }
0x16: {  	s17 =	sadd.s32 s26, s2;
	[dreg:$0x9] =	wrdreg s7;
	s7 =	sshll.u32 s18, $0x4  }
0x17: {  	s18 =	sadd.s32 $0x1E0, s10;
	s0 =	sadd.s32 s16, s0;
	s10 =	sadd.s32 $0x230, s10  }
0x18: {  	s24 =	sadd.s32 $0xC800, s17;
	s25 =	sadd.s32 $0xF000, s17;
	s26 =	sadd.s32 $0x11800, s17  }
0x19: {  	s7 =	sadd.s32 s5, s7;
	s21 =	sadd.s32 s12, s18;
	[dreg:$0x1e] =	wrdreg s24  }
0x1a: {  	s12 =	sadd.s32 s12, s10;
	s0 =	sshll.u32 s0, $0x4;
	[dreg:$0x1f] =	wrdreg s25  }
0x1b: {  	[smem:$0x7FC] =	sst s26;
	s24 =	simm.s32 $0x9;
	s25 =	simm.s32 $0x0  }
0x1c: {  	[dreg:$0xa] =	wrdreg s7;
	s7 =	sshll.u32 s20, $0x4;
	s16 =	sshll.u32 s21, $0x4  }
0x1d: {  	s23 =	sshll.u32 s12, $0x4;
	s0 =	sadd.s32 s1, s0;
	s12 =	sshll.u32 s13, $0x7  }
0x1e: {  	s20 =	sadd.s32 $0x2800, s17;
	s21 =	sadd.s32 $0x5000, s17;
	s7 =	sadd.s32 s5, s7  }
0x1f: {  	s22 =	sadd.s32 s5, s16;
	s5 =	sadd.s32 s5, s23;
	s13 =	sadd.s32 s12, s2  }
0x20: {  	s16 =	sshll.u32 s10, $0x7;
	s28 =	sadd.s32 $0x1E00, s0;
	[dreg:$0x1a] =	wrdreg s20  }
0x21: {  	s29 =	sadd.s32 $0x1900, s0;
	s30 =	sadd.s32 $0x1400, s0;
	[dreg:$0x1b] =	wrdreg s21  }
0x22: {  	s23 =	sadd.s32 $0xA000, s17;
	s10 =	simm.s32 $0x1AF90;
	[dreg:$0xb] =	wrdreg s7  }
0x23: {  	s12 =	simm.s32 $0x15F90;
	s20 =	simm.s32 $0x4;
	[dreg:$0xc] =	wrdreg s22  }
0x24: {  	[dreg:$0xd] =	wrdreg s5;
	s7 =	sadd.s32 s1, s6;
	s6 =	sshll.u32 s8, $0x7  }
0x25: {  	s8 =	smax.u32 s9, $0x1;
	s9 =	sshll.u32 s11, $0x7;
	[dreg:$0x16] =	wrdreg s13  }
0x26: {  	s11 =	sshll.u32 s14, $0x7;
	s14 =	sshll.u32 s15, $0x7;
	[dreg:$0x1d] =	wrdreg s23  }
0x27: {  	s15 =	sshll.u32 s18, $0x7;
	s18 =	sadd.s32 s16, s2;
	[dreg:$0x12] =	wrdreg s8  }
0x28: {  	s21 =	simm.s32 $0x6;
	s22 =	sadd.s32 $0x7800, s17;
	[dreg:$0x19] =	wrdreg s18  }
0x29: {  	s16 =	simm.s32 $0x2;
	s13 =	simm.s32 $0x5;
	[dreg:$0x1c] =	wrdreg s22  }
0x2a: {  	s23 =	simm.s32 $0x8;
	s1 =	sadd.s32 s6, s2;
	[dreg:$0xe] =	wrdreg s7  }
0x2b: {  	s6 =	sadd.s32 $0x2300, s0;
	s31 =	sadd.s32 $0x26C00, s7;
	[dreg:$0x13] =	wrdreg s1  }
0x2c: {  	s18 =	simm.s32 $0x50;
	s1 =	sadd.s32 s9, s2;
	[smem:$0x7FD] =	sst s31  }
0x2d: {  	s22 =	simm.s32 $0x7;
	[dreg:$0x14] =	wrdreg s1;
	s1 =	sadd.s32 s11, s2  }
0x2e: {  	s9 =	simm.s32 $0x18790;
	[dreg:$0x15] =	wrdreg s1;
	s1 =	sadd.s32 s14, s2  }
0x2f: {  	s11 =	simm.s32 $0x1D790;
	[dreg:$0x17] =	wrdreg s1;
	s1 =	sadd.s32 s15, s2  }
0x30: {  	v0 =	vimm.f32 $0.0e+00;
	s14 =	simm.s32 $0xA;
	s15 =	simm.s32 $0x1;
	[dreg:$0x18] =	wrdreg s1  }
.LBB2_1:
0x31: {  	s0 =	rddreg [dreg:$0x5]  }
0x32: {  	[tilespmem:s3], [sflag:$0x1] =	stream.linear.gather [hbm4b:s0+s3], $0x2710, $0x38;
	[tilespmem:$0x1FF90] =	vst v63  }
0x33: {  	s8 =	rddreg [dreg:$0xf]  }
0x34: {  	[tilespmem:s9], [sflag:$0x3] =	stream.linear.gather [hbm4b:s8+s3], $0x2800, $0x38;
	[tilespmem:$0x1FF90] =	vst v63  }
0x35: {  	s26 =	rddreg [dreg:$0x10]  }
0x36: {  	[tilespmem:s10], [sflag:$0x4] =	stream.linear.gather [hbm4b:s26+s3], $0x2800, $0x38;
	[tilespmem:$0x1FF90] =	vst v63  }
0x37: {  	s31 =	rddreg [dreg:$0x11];
	s1 =	simm.s32 $0x200;
	s0 =	simm.s32 $0x0  }
0x38: {  	[tilespmem:s11], [sflag:$0x5] =	stream.linear.gather [hbm4b:s31+s3], $0x2800, $0x38;
	[tilespmem:$0x1FF90] =	vst v63  }
.LBB2_2:
0x39: {  	p1 =	sne.s32 s1, $0x9E00;
	[tilespmem:s0+$0x16000] =	vst v0  }
0x3a: {  	[tilespmem:s0+$0x15F90] =	vst v0  }
0x3b: {  	[tilespmem:s0+$0x15FA0] =	vst v0  }
.Ltmp0:
0x3c: {  	[tilespmem:s0+$0x15FB0] =	vst v0;
	(pc) =	sbr.rel @p1 .LBB2_2-.Ltmp0, $4  }
0x3d: {  	[tilespmem:s0+$0x15FC0] =	vst v0  }
0x3e: {  	[tilespmem:s0+$0x15FD0] =	vst v0  }
0x3f: {  	[tilespmem:s0+$0x15FE0] =	vst v0  }
0x40: {  	[tilespmem:s0+$0x15FF0] =	vst v0;
	s0 =	sshra.s32 s1, $0x2;
	s1 =	sadd.s32 $0x200, s1  }
0x41: {  	[tilespmem:s0+$0x16000] =	vst v0  }
0x42: {  	[tilespmem:s0+$0x15F90] =	vst v0  }
0x43: {  	[tilespmem:s0+$0x15FA0] =	vst v0  }
0x44: {  	[tilespmem:s0+$0x15FB0] =	vst v0  }
0x45: {  	[tilespmem:s0+$0x15FC0] =	vst v0  }
0x46: {  	[tilespmem:s0+$0x15FD0] =	vst v0  }
0x47: {  	[tilespmem:s0+$0x15FE0] =	vst v0  }
0x48: {  	[tilespmem:s0+$0x15FF0] =	vst v0  }
0x49: {  	[spmem:s17] =	stream.linear.scatter [tilespmem:s12], [sflag:$0xA], $0x2800, $0x38;
	[tilespmem:$0x1FF90] =	vst v63  }
0x4a: {  	_ =	swait.ge [sflag:s14], $0x2800  }
0x4b: {  	[sflag:s14] =	ssyncset.done $0x0  }
0x4c: {  	s5 =	rddreg [dreg:$0x1a];
	[sflag:s14] =	ssyncadd.s32 $0xFFFFD800  }
0x4d: {  	[spmem:s5] =	stream.linear.scatter [tilespmem:s12], [sflag:$0xA], $0x2800, $0x38;
	[tilespmem:$0x1FF90] =	vst v63  }
0x4e: {  	_ =	swait.ge [sflag:s14], $0x2800  }
0x4f: {  	[sflag:s14] =	ssyncset.done $0x0  }
0x50: {  	s7 =	rddreg [dreg:$0x1b];
	[sflag:s14] =	ssyncadd.s32 $0xFFFFD800  }
0x51: {  	[spmem:s7] =	stream.linear.scatter [tilespmem:s12], [sflag:$0xA], $0x2800, $0x38;
	[tilespmem:$0x1FF90] =	vst v63  }
0x52: {  	_ =	swait.ge [sflag:s14], $0x2800  }
0x53: {  	[sflag:s14] =	ssyncset.done $0x0  }
0x54: {  	s8 =	rddreg [dreg:$0x1c];
	[sflag:s14] =	ssyncadd.s32 $0xFFFFD800  }
0x55: {  	[spmem:s8] =	stream.linear.scatter [tilespmem:s12], [sflag:$0xA], $0x2800, $0x38;
	[tilespmem:$0x1FF90] =	vst v63  }
0x56: {  	_ =	swait.ge [sflag:s14], $0x2800  }
0x57: {  	[sflag:s14] =	ssyncset.done $0x0  }
0x58: {  	s26 =	rddreg [dreg:$0x1d];
	[sflag:s14] =	ssyncadd.s32 $0xFFFFD800  }
0x59: {  	[spmem:s26] =	stream.linear.scatter [tilespmem:s12], [sflag:$0xA], $0x2800, $0x38;
	[tilespmem:$0x1FF90] =	vst v63  }
0x5a: {  	_ =	swait.ge [sflag:s14], $0x2800  }
0x5b: {  	[sflag:s14] =	ssyncset.done $0x0  }
0x5c: {  	s0 =	simm.s32 @!p0 $0x15F90;
	s1 =	rddreg [dreg:$0x1e];
	[sflag:s14] =	ssyncadd.s32 $0xFFFFD800  }
0x5d: {  	[spmem:s1] =	stream.linear.scatter @!p0 [tilespmem:s0], [sflag:$0xA], $0x2800, $0x38;
	[tilespmem:$0x1FF90] =	vst v63  }
0x5e: {  	s1 =	simm.s32 @!p0 $0xA  }
0x5f: {  	_ =	swait.ge @!p0 [sflag:s1], $0x2800  }
0x60: {  	[sflag:s1] =	ssyncset.done @!p0 $0x0  }
0x61: {  	s4 =	rddreg [dreg:$0x1f];
	[sflag:s1] =	ssyncadd.s32 @!p0 $0xFFFFD800  }
0x62: {  	[spmem:s4] =	stream.linear.scatter @!p0 [tilespmem:s0], [sflag:$0xA], $0x2800, $0x38;
	[tilespmem:$0x1FF90] =	vst v63  }
0x63: {  	_ =	swait.ge @!p0 [sflag:s1], $0x2800  }
0x64: {  	s4 =	sld [smem:$0x7FC]  }
0x65: {  	[sflag:s1] =	ssyncset.done @!p0 $0x0  }
0x66: {  	[sflag:s1] =	ssyncadd.s32 @!p0 $0xFFFFD800  }
0x67: {  	[spmem:s4] =	stream.linear.scatter @!p0 [tilespmem:s0], [sflag:$0xA], $0x2800, $0x38;
	[tilespmem:$0x1FF90] =	vst v63  }
0x68: {  	_ =	swait.ge @!p0 [sflag:s1], $0x2800  }
0x69: {  	[sflag:s1] =	ssyncset.done @!p0 $0x0  }
0x6a: {  	s4 =	rddreg [dreg:$0xe];
	[sflag:s1] =	ssyncadd.s32 @!p0 $0xFFFFD800;
	s1 =	simm.s32 $0x0  }
0x6b: {  	[tilespmem:s12], [sflag:$0x2] =	stream.linear.gather [hbm4b:s4+s1], $0x2800, $0x38;
	[tilespmem:$0x1FF90] =	vst v63  }
0x6c: {  	_ =	swait.ge [sflag:s15], $0x2710  }
0x6d: {  	[sflag:s15] =	ssyncset.done $0x0  }
0x6e: {  	[sflag:s15] =	ssyncadd.s32 $0xFFFFD8F0  }
0x6f: {  	[bflag:$0x0] =	sbarrier.arrive $0xFFFF  }
0x70: {  	_ =	swait.ge [sflag:s16], $0x2800  }
0x71: {  	[sflag:s16] =	ssyncset.done $0x0  }
0x72: {  	s5 =	simm.s32 $0x0;
	[sflag:s16] =	ssyncadd.s32 $0xFFFFD800  }
0x73: {  	[spmem:s2] =	stream.indirect.scatter.add.f32 [tilespmem:s12], [sflag:$0x6], $0x80, s5, s18, $0xb8;
	[tilespmem:$0x1FF90] =	vst v63  }
0x74: {  	_ =	swait.ge [sflag:s19], $0x2800  }
0x75: {  	[sflag:s19] =	ssyncset.done $0x0  }
0x76: {  	s7 =	simm.s32 $0x50;
	[sflag:s19] =	ssyncadd.s32 $0xFFFFD800  }
0x77: {  	[spmem:s2] =	stream.indirect.scatter.add.f32 [tilespmem:s9], [sflag:$0x7], $0x80, s7, s18, $0xb8;
	[tilespmem:$0x1FF90] =	vst v63  }
0x78: {  	_ =	swait.ge [sflag:s20], $0x2800  }
0x79: {  	[sflag:s20] =	ssyncset.done $0x0  }
0x7a: {  	s8 =	simm.s32 $0xA0;
	[sflag:s20] =	ssyncadd.s32 $0xFFFFD800  }
0x7b: {  	[spmem:s2] =	stream.indirect.scatter.add.f32 [tilespmem:s10], [sflag:$0x8], $0x80, s8, s18, $0xb8;
	[tilespmem:$0x1FF90] =	vst v63  }
0x7c: {  	_ =	swait.ge [sflag:s13], $0x2800  }
0x7d: {  	[sflag:s13] =	ssyncset.done $0x0  }
0x7e: {  	s26 =	simm.s32 $0xF0;
	[sflag:s13] =	ssyncadd.s32 $0xFFFFD800  }
0x7f: {  	[spmem:s2] =	stream.indirect.scatter.add.f32 [tilespmem:s11], [sflag:$0x9], $0x80, s26, s18, $0xb8;
	[tilespmem:$0x1FF90] =	vst v63  }
0x80: {  	_ =	swait.ge [sflag:s21], $0x2800  }
0x81: {  	[sflag:s21] =	ssyncset.done $0x0  }
0x82: {  	[sflag:s21] =	ssyncadd.s32 $0xFFFFD800  }
0x83: {  	[tilespmem:s12], [sflag:$0x2] =	stream.linear.gather [hbm4b:s30+s3], $0x2800, $0x38;
	[tilespmem:$0x1FF90] =	vst v63  }
0x84: {  	_ =	swait.ge [sflag:s22], $0x2800  }
0x85: {  	[sflag:s22] =	ssyncset.done $0x0  }
0x86: {  	[sflag:s22] =	ssyncadd.s32 $0xFFFFD800  }
0x87: {  	[tilespmem:s9], [sflag:$0x3] =	stream.linear.gather [hbm4b:s29+s3], $0x2800, $0x38;
	[tilespmem:$0x1FF90] =	vst v63  }
0x88: {  	_ =	swait.ge [sflag:s23], $0x2800  }
0x89: {  	[sflag:s23] =	ssyncset.done $0x0  }
0x8a: {  	[sflag:s23] =	ssyncadd.s32 $0xFFFFD800  }
0x8b: {  	[tilespmem:s10], [sflag:$0x4] =	stream.linear.gather [hbm4b:s28+s3], $0x2800, $0x38;
	[tilespmem:$0x1FF90] =	vst v63  }
0x8c: {  	s31 =	simm.s32 $0x500;
	s0 =	sadd.s32 $0x1400, s30;
	_ =	swait.ge [sflag:s24], $0x2800  }
0x8d: {  	s1 =	sadd.s32 $0x1400, s29;
	s4 =	sadd.s32 $0x1400, s6;
	[sflag:s24] =	ssyncset.done $0x0  }
0x8e: {  	s5 =	sadd.s32 $0x1400, s28;
	s26 =	smov.u32 s6;
	[sflag:s24] =	ssyncadd.s32 $0xFFFFD800  }
.LBB2_4:
0x8f: {  	[tilespmem:s11], [sflag:$0x5] =	stream.linear.gather [hbm4b:s26+s3], $0x2800, $0x38;
	[tilespmem:$0x1FF90] =	vst v63  }
0x90: {  	s7 =	smov.u32 s31;
	s26 =	smov.u32 s4  }
0x91: {  	p1 =	sne.s32 s31, $0x9100;
	s31 =	sadd.s32 $0x500, s31;
	_ =	swait.ge [sflag:s16], $0x2800  }
0x92: {  	[sflag:s16] =	ssyncset.done $0x0  }
0x93: {  	s7 =	sshra.s32 s7, $0x2;
	[sflag:s16] =	ssyncadd.s32 $0xFFFFD800  }
0x94: {  	[spmem:s2] =	stream.indirect.scatter.add.f32 [tilespmem:s12], [sflag:$0x6], $0x80, s7, s18, $0xb8;
	[tilespmem:$0x1FF90] =	vst v63  }
0x95: {  	_ =	swait.ge [sflag:s19], $0x2800  }
0x96: {  	[sflag:s19] =	ssyncset.done $0x0  }
0x97: {  	s8 =	sadd.s32 $0x50, s7;
	[sflag:s19] =	ssyncadd.s32 $0xFFFFD800  }
0x98: {  	[spmem:s2] =	stream.indirect.scatter.add.f32 [tilespmem:s9], [sflag:$0x7], $0x80, s8, s18, $0xb8;
	[tilespmem:$0x1FF90] =	vst v63  }
0x99: {  	_ =	swait.ge [sflag:s20], $0x2800  }
0x9a: {  	[sflag:s20] =	ssyncset.done $0x0  }
0x9b: {  	s8 =	sadd.s32 $0xA0, s7;
	[sflag:s20] =	ssyncadd.s32 $0xFFFFD800  }
0x9c: {  	[spmem:s2] =	stream.indirect.scatter.add.f32 [tilespmem:s10], [sflag:$0x8], $0x80, s8, s18, $0xb8;
	[tilespmem:$0x1FF90] =	vst v63  }
0x9d: {  	_ =	swait.ge [sflag:s13], $0x2800  }
0x9e: {  	[sflag:s13] =	ssyncset.done $0x0  }
0x9f: {  	s7 =	sadd.s32 $0xF0, s7;
	[sflag:s13] =	ssyncadd.s32 $0xFFFFD800  }
0xa0: {  	[spmem:s2] =	stream.indirect.scatter.add.f32 [tilespmem:s11], [sflag:$0x9], $0x80, s7, s18, $0xb8;
	[tilespmem:$0x1FF90] =	vst v63  }
0xa1: {  	_ =	swait.ge [sflag:s21], $0x2800  }
0xa2: {  	[sflag:s21] =	ssyncset.done $0x0  }
0xa3: {  	[sflag:s21] =	ssyncadd.s32 $0xFFFFD800  }
0xa4: {  	[tilespmem:s12], [sflag:$0x2] =	stream.linear.gather [hbm4b:s0+s3], $0x2800, $0x38;
	[tilespmem:$0x1FF90] =	vst v63  }
0xa5: {  	_ =	swait.ge [sflag:s22], $0x2800  }
0xa6: {  	[sflag:s22] =	ssyncset.done $0x0  }
0xa7: {  	[sflag:s22] =	ssyncadd.s32 $0xFFFFD800  }
0xa8: {  	[tilespmem:s9], [sflag:$0x3] =	stream.linear.gather [hbm4b:s1+s3], $0x2800, $0x38;
	[tilespmem:$0x1FF90] =	vst v63  }
0xa9: {  	_ =	swait.ge [sflag:s23], $0x2800  }
0xaa: {  	[sflag:s23] =	ssyncset.done $0x0  }
.Ltmp1:
0xab: {  	[sflag:s23] =	ssyncadd.s32 $0xFFFFD800;
	(pc) =	sbr.rel @p1 .LBB2_4-.Ltmp1, $4  }
0xac: {  	[tilespmem:s10], [sflag:$0x4] =	stream.linear.gather [hbm4b:s5+s3], $0x2800, $0x38;
	[tilespmem:$0x1FF90] =	vst v63  }
0xad: {  	_ =	swait.ge [sflag:s24], $0x2800  }
0xae: {  	s0 =	sadd.s32 $0x1400, s0;
	s1 =	sadd.s32 $0x1400, s1;
	[sflag:s24] =	ssyncset.done $0x0  }
0xaf: {  	s4 =	sadd.s32 $0x1400, s4;
	s5 =	sadd.s32 $0x1400, s5;
	[sflag:s24] =	ssyncadd.s32 $0xFFFFD800  }
0xb0: {  	[tilespmem:s11], [sflag:$0x5] =	stream.linear.gather [hbm4b:s26+s3], $0x2800, $0x38;
	[tilespmem:$0x1FF90] =	vst v63  }
0xb1: {  	_ =	swait.ge [sflag:s16], $0x2800  }
0xb2: {  	[sflag:s16] =	ssyncset.done $0x0  }
0xb3: {  	s0 =	simm.s32 $0x2580;
	[sflag:s16] =	ssyncadd.s32 $0xFFFFD800  }
0xb4: {  	[spmem:s2] =	stream.indirect.scatter.add.f32 [tilespmem:s12], [sflag:$0x6], $0x80, s0, s18, $0xb8;
	[tilespmem:$0x1FF90] =	vst v63  }
0xb5: {  	_ =	swait.ge [sflag:s19], $0x2800  }
0xb6: {  	[sflag:s19] =	ssyncset.done $0x0  }
0xb7: {  	s31 =	simm.s32 $0x25D0;
	[sflag:s19] =	ssyncadd.s32 $0xFFFFD800  }
0xb8: {  	[spmem:s2] =	stream.indirect.scatter.add.f32 [tilespmem:s9], [sflag:$0x7], $0x80, s31, s18, $0xb8;
	[tilespmem:$0x1FF90] =	vst v63  }
0xb9: {  	_ =	swait.ge [sflag:s20], $0x2800  }
0xba: {  	[sflag:s20] =	ssyncset.done $0x0  }
0xbb: {  	s1 =	simm.s32 $0x2620;
	[sflag:s20] =	ssyncadd.s32 $0xFFFFD800  }
0xbc: {  	[spmem:s2] =	stream.indirect.scatter.add.f32 [tilespmem:s10], [sflag:$0x8], $0x80, s1, s18, $0xb8;
	[tilespmem:$0x1FF90] =	vst v63  }
0xbd: {  	_ =	swait.ge [sflag:s13], $0x2800  }
0xbe: {  	[sflag:s13] =	ssyncset.done $0x0  }
0xbf: {  	s4 =	simm.s32 $0x2670;
	[sflag:s13] =	ssyncadd.s32 $0xFFFFD800  }
0xc0: {  	[spmem:s2] =	stream.indirect.scatter.add.f32 [tilespmem:s11], [sflag:$0x9], $0x80, s4, s18, $0xb8;
	[tilespmem:$0x1FF90] =	vst v63  }
0xc1: {  	_ =	swait.ge [sflag:s21], $0x2800  }
0xc2: {  	s5 =	sld [smem:$0x7FD]  }
0xc3: {  	[sflag:s21] =	ssyncset.done $0x0  }
0xc4: {  	[sflag:s21] =	ssyncadd.s32 $0xFFFFD800  }
0xc5: {  	[tilespmem:s12], [sflag:$0x2] =	stream.linear.gather [hbm4b:s5+s3], $0x2800, $0x38;
	[tilespmem:$0x1FF90] =	vst v63  }
0xc6: {  	_ =	swait.ge [sflag:s22], $0x2800  }
0xc7: {  	[sflag:s22] =	ssyncset.done $0x0  }
0xc8: {  	[sflag:s22] =	ssyncadd.s32 $0xFFFFD800  }
0xc9: {  	_ =	swait.ge [sflag:s23], $0x2800  }
0xca: {  	[sflag:s23] =	ssyncset.done $0x0  }
0xcb: {  	[sflag:s23] =	ssyncadd.s32 $0xFFFFD800  }
0xcc: {  	_ =	swait.ge [sflag:s24], $0x2800  }
0xcd: {  	[sflag:s24] =	ssyncset.done $0x0  }
0xce: {  	[sflag:s24] =	ssyncadd.s32 $0xFFFFD800  }
0xcf: {  	_ =	swait.ge [sflag:s16], $0x2800  }
0xd0: {  	[sflag:s16] =	ssyncset.done $0x0  }
0xd1: {  	s7 =	simm.s32 $0x26C0;
	[sflag:s16] =	ssyncadd.s32 $0xFFFFD800  }
0xd2: {  	[spmem:s2] =	stream.indirect.scatter.add.f32 [tilespmem:s12], [sflag:$0x6], $0x80, s7, s18, $0xb8;
	[tilespmem:$0x1FF90] =	vst v63  }
0xd3: {  	_ =	swait.ge [sflag:s21], $0x2800  }
0xd4: {  	[sflag:s21] =	ssyncset.done $0x0  }
0xd5: {  	[sflag:s21] =	ssyncadd.s32 $0xFFFFD800  }
0xd6: {  	[bflag:$0x0] =	sbarrier.arrive $0xFFFF  }
0xd7: {  	[tilespmem:s12], [sflag:$0x2] =	stream.linear.gather [spmem:s17], $0x2800, $0x38;
	[tilespmem:$0x1FF90] =	vst v63  }
0xd8: {  	_ =	swait.ge [sflag:s16], $0x2800  }
0xd9: {  	[sflag:s16] =	ssyncset.done $0x0  }
0xda: {  	s8 =	rddreg [dreg:$0x6];
	[sflag:s16] =	ssyncadd.s32 $0xFFFFD800  }
0xdb: {  	[hbm4b:s8+s3] =	stream.linear.scatter [tilespmem:s12], [sflag:$0x6], $0x2800, $0x38;
	[tilespmem:$0x1FF90] =	vst v63  }
0xdc: {  	s26 =	rddreg [dreg:$0x13]  }
0xdd: {  	[tilespmem:s9], [sflag:$0x3] =	stream.linear.gather [spmem:s26], $0x2800, $0x38;
	[tilespmem:$0x1FF90] =	vst v63  }
0xde: {  	_ =	swait.ge [sflag:s19], $0x2800  }
0xdf: {  	[sflag:s19] =	ssyncset.done $0x0  }
0xe0: {  	s31 =	rddreg [dreg:$0x7];
	[sflag:s19] =	ssyncadd.s32 $0xFFFFD800  }
0xe1: {  	[hbm4b:s31+s3] =	stream.linear.scatter [tilespmem:s9], [sflag:$0x7], $0x2800, $0x38;
	[tilespmem:$0x1FF90] =	vst v63  }
0xe2: {  	_ =	swait.ge [sflag:s21], $0x2800  }
0xe3: {  	[sflag:s21] =	ssyncset.done $0x0  }
0xe4: {  	s1 =	rddreg [dreg:$0x14];
	[sflag:s21] =	ssyncadd.s32 $0xFFFFD800  }
0xe5: {  	[tilespmem:s12], [sflag:$0x2] =	stream.linear.gather [spmem:s1], $0x2800, $0x38;
	[tilespmem:$0x1FF90] =	vst v63  }
0xe6: {  	_ =	swait.ge [sflag:s16], $0x2800  }
0xe7: {  	[sflag:s16] =	ssyncset.done $0x0  }
0xe8: {  	s4 =	rddreg [dreg:$0x8];
	[sflag:s16] =	ssyncadd.s32 $0xFFFFD800  }
0xe9: {  	[hbm4b:s4+s3] =	stream.linear.scatter [tilespmem:s12], [sflag:$0x6], $0x2800, $0x38;
	[tilespmem:$0x1FF90] =	vst v63  }
0xea: {  	_ =	swait.ge [sflag:s22], $0x2800  }
0xeb: {  	[sflag:s22] =	ssyncset.done $0x0  }
0xec: {  	s5 =	rddreg [dreg:$0x15];
	[sflag:s22] =	ssyncadd.s32 $0xFFFFD800  }
0xed: {  	[tilespmem:s9], [sflag:$0x3] =	stream.linear.gather [spmem:s5], $0x2800, $0x38;
	[tilespmem:$0x1FF90] =	vst v63  }
0xee: {  	_ =	swait.ge [sflag:s19], $0x2800  }
0xef: {  	[sflag:s19] =	ssyncset.done $0x0  }
0xf0: {  	s7 =	rddreg [dreg:$0x9];
	[sflag:s19] =	ssyncadd.s32 $0xFFFFD800  }
0xf1: {  	[hbm4b:s7+s3] =	stream.linear.scatter [tilespmem:s9], [sflag:$0x7], $0x2800, $0x38;
	[tilespmem:$0x1FF90] =	vst v63  }
0xf2: {  	_ =	swait.ge [sflag:s21], $0x2800  }
0xf3: {  	[sflag:s21] =	ssyncset.done $0x0  }
0xf4: {  	s8 =	rddreg [dreg:$0x16];
	[sflag:s21] =	ssyncadd.s32 $0xFFFFD800  }
0xf5: {  	[tilespmem:s12], [sflag:$0x2] =	stream.linear.gather [spmem:s8], $0x2800, $0x38;
	[tilespmem:$0x1FF90] =	vst v63  }
0xf6: {  	_ =	swait.ge [sflag:s16], $0x2800  }
0xf7: {  	[sflag:s16] =	ssyncset.done $0x0  }
0xf8: {  	s26 =	rddreg [dreg:$0xa];
	[sflag:s16] =	ssyncadd.s32 $0xFFFFD800  }
0xf9: {  	[hbm4b:s26+s3] =	stream.linear.scatter [tilespmem:s12], [sflag:$0x6], $0x2800, $0x38;
	[tilespmem:$0x1FF90] =	vst v63  }
0xfa: {  	_ =	swait.ge [sflag:s22], $0x2800  }
0xfb: {  	[sflag:s22] =	ssyncset.done $0x0  }
0xfc: {  	s0 =	simm.s32 @!p0 $0x18790;
	s1 =	rddreg [dreg:$0x17];
	[sflag:s22] =	ssyncadd.s32 $0xFFFFD800  }
0xfd: {  	[tilespmem:s0], [sflag:$0x3] =	stream.linear.gather @!p0 [spmem:s1], $0x2800, $0x38;
	[tilespmem:$0x1FF90] =	vst v63  }
0xfe: {  	s1 =	simm.s32 @!p0 $0x3  }
0xff: {  	_ =	swait.ge @!p0 [sflag:s1], $0x2800  }
0x100: {  	[sflag:s1] =	ssyncset.done @!p0 $0x0  }
0x101: {  	s4 =	simm.s32 @!p0 $0x0;
	s5 =	rddreg [dreg:$0xb];
	[sflag:s1] =	ssyncadd.s32 @!p0 $0xFFFFD800  }
0x102: {  	[hbm4b:s5+s4] =	stream.linear.scatter @!p0 [tilespmem:s0], [sflag:$0x7], $0x2800, $0x38;
	[tilespmem:$0x1FF90] =	vst v63  }
0x103: {  	s5 =	simm.s32 @!p0 $0x6  }
0x104: {  	_ =	swait.ge @!p0 [sflag:s5], $0x2800  }
0x105: {  	[sflag:s5] =	ssyncset.done @!p0 $0x0  }
0x106: {  	s7 =	simm.s32 @!p0 $0x15F90;
	s8 =	rddreg [dreg:$0x18];
	[sflag:s5] =	ssyncadd.s32 @!p0 $0xFFFFD800  }
0x107: {  	[tilespmem:s7], [sflag:$0x2] =	stream.linear.gather @!p0 [spmem:s8], $0x2800, $0x38;
	[tilespmem:$0x1FF90] =	vst v63  }
0x108: {  	s8 =	simm.s32 @!p0 $0x2  }
0x109: {  	_ =	swait.ge @!p0 [sflag:s8], $0x2800  }
0x10a: {  	[sflag:s8] =	ssyncset.done @!p0 $0x0  }
0x10b: {  	[sflag:s8] =	ssyncadd.s32 @!p0 $0xFFFFD800;
	s8 =	rddreg [dreg:$0xc]  }
0x10c: {  	[hbm4b:s8+s4] =	stream.linear.scatter @!p0 [tilespmem:s7], [sflag:$0x6], $0x2800, $0x38;
	[tilespmem:$0x1FF90] =	vst v63  }
0x10d: {  	s7 =	simm.s32 @!p0 $0x7  }
0x10e: {  	_ =	swait.ge @!p0 [sflag:s7], $0x2800  }
0x10f: {  	[sflag:s7] =	ssyncset.done @!p0 $0x0  }
0x110: {  	s8 =	rddreg [dreg:$0x19];
	[sflag:s7] =	ssyncadd.s32 @!p0 $0xFFFFD800  }
0x111: {  	[tilespmem:s0], [sflag:$0x3] =	stream.linear.gather @!p0 [spmem:s8], $0x2800, $0x38;
	[tilespmem:$0x1FF90] =	vst v63  }
0x112: {  	_ =	swait.ge @!p0 [sflag:s1], $0x2800  }
0x113: {  	[sflag:s1] =	ssyncset.done @!p0 $0x0  }
0x114: {  	[sflag:s1] =	ssyncadd.s32 @!p0 $0xFFFFD800;
	s1 =	rddreg [dreg:$0xd]  }
0x115: {  	[hbm4b:s1+s4] =	stream.linear.scatter @!p0 [tilespmem:s0], [sflag:$0x7], $0x2800, $0x38;
	[tilespmem:$0x1FF90] =	vst v63  }
0x116: {  	_ =	swait.ge @!p0 [sflag:s5], $0x2800  }
0x117: {  	[sflag:s5] =	ssyncset.done @!p0 $0x0  }
0x118: {  	s7 =	simm.s32 @p0 $0x6;
	[sflag:s5] =	ssyncadd.s32 @!p0 $0xFFFFD800  }
0x119: {  	_ =	swait.ge [sflag:s7], $0x2800  }
0x11a: {  	s25 =	sadd.s32 $0x1, s25;
	s31 =	rddreg [dreg:$0x12]  }
0x11b: {  	p1 =	sne.s32 s25, s31  }
.Ltmp2:
0x11c: {  	_ = 	snop;
	(pc) =	sbr.rel @p1 .LBB2_1-.Ltmp2, $3  }
0x11d: {  	_ =	sdelay $0x1  }
0x11e: {  	[sflag:s7] =	ssyncset.done $0x0  }
0x11f: {  	[sflag:s7] =	ssyncadd.s32 $0xFFFFD800  }
0x120: {  	_ =	sfence.sel $0x180000  }
0x121: {  	[bflag:$0x0] =	sbarrier.arrive $0xFFFF  }
0x122: {  	_ =	strace $0x90000047  }
0x123: {  	s0 =	stileid.u32;
	[bflag:$0x2] =	sbarrier.arrive $0xFFFF  }
0x124: {  	p0 =	sne.s32 s0, $0x0;
	s0 =	rddreg [dreg:$0x4]  }
0x125: {  	s0 =	sadd.s32 @!p0 $0x100000, s0  }
0x126: {  	[sflag:s0] =	ssyncadd.tile.s32 @!p0 $0x1;
	_ =	shalt  }
.Lfunc_end2:
_tile_overlayer_lowered:
.L_overlay_start_2:
0x127: {  	(tag) =	ssettag $0x2  }
0x128: {  	s0 =	rddreg [dreg:$0x0];
	s2 =	stileid.u32  }
0x129: {  	s1 =	rddreg [dreg:$0x1];
	p0 =	sne.s32 s2, $0x0  }
0x12a: {  	s3 =	rddreg [dreg:$0x2];
	[bflag:$0x3] =	sbarrier.arrive $0xFFFF;
	s2 =	simm.s32 @!p0 $0x1C0A  }
0x12b: {  	[timem:s3], [sflag:s2] =	dma.local @!p0 [hbm:s0], s1  }
0x12c: {  	s0 =	simm.s32 @!p0 $0xA  }
0x12d: {  	_ =	swait.ge @!p0 [sflag:s0], s1  }
0x12e: {  	s1 =	ssub.s32 @!p0 $0x0, s1;
	[sflag:s0] =	ssyncset.done @!p0 $0x0  }
0x12f: {  	[sflag:s0] =	ssyncadd.s32 @!p0 s1  }
0x130: {  	[bflag:$0x3] =	sbarrier.arrive $0xFFFF  }
0x131: {  	_ =	shalt  }

</sc_bundles>
